<compile_context>
chip_gen: v7x
topology: tpu7x:2x2x1
jax: 0.10.2.dev20260603
libtpu: 0.0.44.dev20260713+nightly
codegen_flags: <defaults>
</compile_context>

<pallas_src>
import functools
import math

import jax
import jax.numpy as jnp
from jax import lax
from jax.experimental import pallas as pl
from jax.experimental.pallas import tpu as pltpu
from jax.experimental.pallas import tpu_sc as plsc

N_NODES = 10000
D = 128
N_EDGES = 320000
INV_BN = 1.0 / math.sqrt(1.0 + 1e-5)

NC = 2
NS = 16
NW = NC * NS

EC = 128
E_PAD = 327680
CHUNKS = E_PAD // (NW * EC)
HALF = CHUNKS // 2
N_PAD = 10240
ROWS_PER_TILE = N_PAD // NS

GC = 80
GCHUNKS = 4

_sc_mesh = plsc.VectorSubcoreMesh(core_axis_name="c", subcore_axis_name="s")


def _segment_sum_sc(features, tgt2d, src2d):

    @functools.partial(
        pl.kernel,
        out_type=jax.ShapeDtypeStruct((NC, N_PAD, D), jnp.float32),
        mesh=_sc_mesh,
        scratch_types=[
            pltpu.VMEM((HALF, EC), jnp.int32),
            pltpu.VMEM((HALF, EC), jnp.int32),
            pltpu.VMEM_SHARED((N_PAD, D), jnp.float32),
            pltpu.VMEM((EC, D), jnp.float32),
            pltpu.VMEM((EC, D), jnp.float32),
            pltpu.SemaphoreType.DMA,
            pltpu.SemaphoreType.DMA,
        ],
    )
    def k(feat_hbm, tgt_hbm, src_hbm, out_hbm, tgt_v, src_v,
          acc_sh, rows0, rows1, sem0, sem1):
        c = lax.axis_index("c")
        s = lax.axis_index("s")
        w = c * NS + s

        def zrow(i, carry):
            for j in range(D // 16):
                rows0[i, pl.ds(j * 16, 16)] = jnp.zeros((16,), jnp.float32)
            return carry

        lax.fori_loop(0, EC, zrow, 0)
        r0 = s * ROWS_PER_TILE
        for j in range(ROWS_PER_TILE // EC):
            pltpu.sync_copy(rows0, acc_sh.at[pl.ds(r0 + j * EC, EC)])
        plsc.subcore_barrier()

        cbase = w * CHUNKS
        for h in range(CHUNKS // HALF):
            hbase = cbase + h * HALF
            pltpu.sync_copy(tgt_hbm.at[pl.ds(hbase, HALF)], tgt_v)
            pltpu.sync_copy(src_hbm.at[pl.ds(hbase, HALF)], src_v)
            pltpu.async_copy(feat_hbm.at[tgt_v.at[0]], rows0, sem0)
            pltpu.async_copy(feat_hbm.at[tgt_v.at[1]], rows1, sem1)

            def body2(jj, carry):
                j0 = jj * 2
                pltpu.make_async_copy(feat_hbm.at[tgt_v.at[0]], rows0,
                                      sem0).wait()
                pltpu.sync_copy(rows0, acc_sh.at[src_v.at[j0]], add=True)
                pltpu.async_copy(feat_hbm.at[tgt_v.at[j0 + 2]], rows0, sem0)
                pltpu.make_async_copy(feat_hbm.at[tgt_v.at[1]], rows1,
                                      sem1).wait()
                pltpu.sync_copy(rows1, acc_sh.at[src_v.at[j0 + 1]], add=True)
                pltpu.async_copy(feat_hbm.at[tgt_v.at[j0 + 3]], rows1, sem1)
                return carry

            lax.fori_loop(0, HALF // 2 - 1, body2, 0)
            pltpu.make_async_copy(feat_hbm.at[tgt_v.at[0]], rows0, sem0).wait()
            pltpu.sync_copy(rows0, acc_sh.at[src_v.at[HALF - 2]], add=True)
            pltpu.make_async_copy(feat_hbm.at[tgt_v.at[1]], rows1, sem1).wait()
            pltpu.sync_copy(rows1, acc_sh.at[src_v.at[HALF - 1]], add=True)
        plsc.subcore_barrier()

        pltpu.sync_copy(acc_sh.at[pl.ds(r0, ROWS_PER_TILE)],
                        out_hbm.at[c, pl.ds(r0, ROWS_PER_TILE)])

    return k(features, tgt2d, src2d)


def _dense_tc(features, partials, W, b, gamma, beta):
    R = 1000

    def body(f_ref, p_ref, w_ref, b_ref, g_ref, bt_ref, o_ref):
        x = f_ref[...]
        a = p_ref[0] + p_ref[1]
        w = w_ref[...]
        dn = (((1,), (1,)), ((), ()))
        y = lax.dot_general(x, w[:, :D], dn,
                            preferred_element_type=jnp.float32)
        y = y + lax.dot_general(a, w[:, D:], dn,
                                preferred_element_type=jnp.float32)
        y = y + b_ref[...]
        y = jnp.maximum(y, 0.0)
        y = y * (g_ref[...] * INV_BN) + bt_ref[...]
        n = jnp.sqrt(jnp.sum(y * y, axis=1, keepdims=True))
        o_ref[...] = y / (n + 1e-6)

    return pl.pallas_call(
        body,
        grid=(N_NODES // R,),
        in_specs=[
            pl.BlockSpec((R, D), lambda i: (i, 0)),
            pl.BlockSpec((NC, R, D), lambda i: (0, i, 0)),
            pl.BlockSpec((D, 2 * D), lambda i: (0, 0)),
            pl.BlockSpec((1, D), lambda i: (0, 0)),
            pl.BlockSpec((1, D), lambda i: (0, 0)),
            pl.BlockSpec((1, D), lambda i: (0, 0)),
        ],
        out_specs=pl.BlockSpec((R, D), lambda i: (i, 0)),
        out_shape=jax.ShapeDtypeStruct((N_NODES, D), jnp.float32),
    )(features, partials, W, b, gamma, beta)


def _gather_sc(u, idx1d):

    @functools.partial(
        pl.kernel,
        out_type=jax.ShapeDtypeStruct((N_NODES, D), jnp.float32),
        mesh=_sc_mesh,
        scratch_types=[
            pltpu.VMEM((GC,), jnp.int32),
            pltpu.VMEM((GC,), jnp.int32),
            pltpu.VMEM((GC, D), jnp.float32),
            pltpu.VMEM((GC, D), jnp.float32),
            pltpu.SemaphoreType.DMA,
            pltpu.SemaphoreType.DMA,
        ],
    )
    def k(u_hbm, idx_hbm, out_hbm, idx0, idx1, rows0, rows1, sem0, sem1):
        c = lax.axis_index("c")
        s = lax.axis_index("s")
        w = s * NC + c
        base = w * GCHUNKS * GC

        pltpu.sync_copy(idx_hbm.at[pl.ds(base, GC)], idx0)
        pltpu.async_copy(u_hbm.at[idx0], rows0, sem0)

        @pl.when(w < NW - 1)
        def _():
            pltpu.sync_copy(idx_hbm.at[pl.ds(base + GC, GC)], idx1)
            pltpu.async_copy(u_hbm.at[idx1], rows1, sem1)

        pltpu.make_async_copy(u_hbm.at[idx0], rows0, sem0).wait()
        pltpu.sync_copy(rows0, out_hbm.at[pl.ds(base, GC)])

        @pl.when(w < NW - 1)
        def _():
            pltpu.sync_copy(idx_hbm.at[pl.ds(base + 2 * GC, GC)], idx0)
            pltpu.async_copy(u_hbm.at[idx0], rows0, sem0)
            pltpu.make_async_copy(u_hbm.at[idx1], rows1, sem1).wait()
            pltpu.sync_copy(rows1, out_hbm.at[pl.ds(base + GC, GC)])
            pltpu.sync_copy(idx_hbm.at[pl.ds(base + 3 * GC, GC)], idx1)
            pltpu.async_copy(u_hbm.at[idx1], rows1, sem1)
            pltpu.make_async_copy(u_hbm.at[idx0], rows0, sem0).wait()
            pltpu.sync_copy(rows0, out_hbm.at[pl.ds(base + 2 * GC, GC)])
            pltpu.make_async_copy(u_hbm.at[idx1], rows1, sem1).wait()
            pltpu.sync_copy(rows1, out_hbm.at[pl.ds(base + 3 * GC, GC)])

    return k(u, idx1d)


def kernel(features, batch, edge_index, W, b, gamma, beta):
    src = edge_index[0].astype(jnp.int32)
    tgt = edge_index[1].astype(jnp.int32)
    bidx = batch.astype(jnp.int32)

    epad = E_PAD - N_EDGES
    pad_src = N_NODES + (jnp.arange(epad, dtype=jnp.int32) % (N_PAD - N_NODES))
    pad_tgt = jnp.arange(epad, dtype=jnp.int32) % N_NODES
    src2d = jnp.concatenate([src, pad_src]).reshape(-1, EC)
    tgt2d = jnp.concatenate([tgt, pad_tgt]).reshape(-1, EC)

    partials = _segment_sum_sc(features, tgt2d, src2d)
    u = _dense_tc(features, partials, W, b.reshape(1, D),
                  gamma.reshape(1, D), beta.reshape(1, D))
    return _gather_sc(u, bidx)

# --- scband reference (transcript-rebuilt; emitter-appended) ---
"""Pipeline reference for scband-sageconv-2542620639890 (READ-ONLY COPY).

The authoritative reference and input builder live on the scoring server;
editing this copy changes nothing except your own understanding.
"""

import jax, jax.numpy as jnp
import numpy as np

N_NODES = 10000
D_IN = 128
D_OUT = 128
N_EDGES = 320000
BN_EPS = 1e-5

def setup_inputs(seed: int = 0) -> dict:
    key = jax.random.key(seed)
    k1, k2, k3, k4, k5 = jax.random.split(key, 5)
    features = jax.random.normal(k1, (N_NODES, D_IN), dtype=jnp.float32)
    batch = jax.random.randint(k2, (N_NODES,), 0, N_NODES, dtype=jnp.int64)
    edge_index = jax.random.randint(k3, (2, N_EDGES), 0, N_NODES, dtype=jnp.int64)
    # Linear(2*input_dim, output_dim) params (Kaiming-uniform-like init)
    bound = 1.0 / np.sqrt(2 * D_IN)
    W = jax.random.uniform(k4, (D_OUT, 2 * D_IN), dtype=jnp.float32, minval=-bound, maxval=bound)
    b = jax.random.uniform(k5, (D_OUT,), dtype=jnp.float32, minval=-bound, maxval=bound)
    # BatchNorm1d affine params (eval mode: running_mean=0, running_var=1)
    gamma = jnp.ones((D_OUT,), dtype=jnp.float32)
    beta = jnp.zeros((D_OUT,), dtype=jnp.float32)
    return {"features": features, "batch": batch, "edge_index": edge_index,
            "W": W, "b": b, "gamma": gamma, "beta": beta}

def reference(features, batch, edge_index, W, b, gamma, beta):
    sources = edge_index[0]
    targets = edge_index[1]
    size = features.shape[0]
    # scatter-add of gathered neighbor features into source nodes
    aggregated = jax.ops.segment_sum(features[targets], sources, num_segments=size)
    out = jnp.concatenate((features[batch], aggregated[batch]), axis=1)
    out = out @ W.T + b
    out = jax.nn.relu(out)
    # BatchNorm1d in eval mode: (x - running_mean)/sqrt(running_var + eps) * gamma + beta
    out = (out - 0.0) / jnp.sqrt(1.0 + BN_EPS) * gamma + beta
    # Dropout is identity in eval mode
    out = out / (jnp.linalg.norm(out, axis=1, keepdims=True) + 1e-6)
    return out

if __name__ == "__main__":
    import jax
    _d = setup_inputs()
    print(jax.jit(kernel)(*tuple(_d.values())))

</pallas_src>

<mosaic_0001>
#map = affine_map<(d0, d1) -> (0, 0)>
#map1 = affine_map<(d0, d1) -> (0, 0, 0)>
module attributes {stable_mosaic.version = 14 : i64} {
  func.func @k(%arg0: i32, %arg1: i32, %arg2: memref<10000x128xf32, #tpu.memory_space<hbm>>, %arg3: memref<2560x128xi32, #tpu.memory_space<hbm>>, %arg4: memref<2560x128xi32, #tpu.memory_space<hbm>>, %arg5: memref<2x10240x128xf32, #tpu.memory_space<hbm>>, %arg6: memref<40x128xi32, #tpu.memory_space<vmem>>, %arg7: memref<40x128xi32, #tpu.memory_space<vmem>>, %arg8: memref<10240x128xf32, #tpu.memory_space<vmem_shared>>, %arg9: memref<128x128xf32, #tpu.memory_space<vmem>>, %arg10: memref<128x128xf32, #tpu.memory_space<vmem>>, %arg11: memref<!tpu.dma_semaphore, #tpu.memory_space<semaphore_mem>>, %arg12: memref<!tpu.dma_semaphore, #tpu.memory_space<semaphore_mem>>) attributes {dimension_semantics = [#tpu.dimension_semantics<core_parallel>, #tpu.dimension_semantics<subcore_parallel>], iteration_bounds = array<i64: 2, 16>, scalar_prefetch = 0 : i64, scratch_operands = 7 : i64, tpu.core_type = #tpu.core_type<sc_vector_subcore>, window_params = [{transform_indices = #map}, {transform_indices = #map}, {transform_indices = #map}, {transform_indices = #map1}]} {
    %mul3A = arith.constant 16 : i32
    %mul3A_0 = arith.muli %arg0, %mul3A : i32
    %add3A = arith.addi %mul3A_0, %arg1 : i32
    %scan3A = arith.constant 0 : i32
    %scan3A_1 = arith.constant 0 : i32
    %scan3A_2 = arith.constant 128 : i32
    %scan3A_3 = arith.addi %scan3A_1, %scan3A_2 : i32
    %scan3A_4 = arith.constant 1 : i32
    scf.for %scan3A_94 = %scan3A_1 to %scan3A_3 step %scan3A_4  : i32 {
      %broadcast_in_dim3A = arith.constant 0.000000e+00 : f32
      %broadcast_in_dim3A_95 = vector.broadcast %broadcast_in_dim3A : f32 to vector<16xf32>
      %swap3A = arith.index_cast %scan3A_94 : i32 to index
      %swap3A_96 = arith.constant 0 : index
      %swap3A_97 = tpu.vector_load %arg9[%swap3A, %swap3A_96] {strides = array<i32>} : memref<128x128xf32, #tpu.memory_space<vmem>>, vector<1x16xf32>,
      %swap3A_98 = vector.shape_cast %swap3A_97 : vector<1x16xf32> to vector<16xf32>
      %swap3A_99 = vector.shape_cast %broadcast_in_dim3A_95 : vector<16xf32> to vector<1x16xf32>
      tpu.vector_store %arg9[%swap3A, %swap3A_96], %swap3A_99 {strides = array<i32>} : memref<128x128xf32, #tpu.memory_space<vmem>>, vector<1x16xf32>,
      %broadcast_in_dim3A_100 = arith.constant 0.000000e+00 : f32
      %broadcast_in_dim3A_101 = vector.broadcast %broadcast_in_dim3A_100 : f32 to vector<16xf32>
      %swap3A_102 = arith.index_cast %scan3A_94 : i32 to index
      %swap3A_103 = arith.constant 16 : index
      %swap3A_104 = tpu.vector_load %arg9[%swap3A_102, %swap3A_103] {strides = array<i32>} : memref<128x128xf32, #tpu.memory_space<vmem>>, vector<1x16xf32>,
      %swap3A_105 = vector.shape_cast %swap3A_104 : vector<1x16xf32> to vector<16xf32>
      %swap3A_106 = vector.shape_cast %broadcast_in_dim3A_101 : vector<16xf32> to vector<1x16xf32>
      tpu.vector_store %arg9[%swap3A_102, %swap3A_103], %swap3A_106 {strides = array<i32>} : memref<128x128xf32, #tpu.memory_space<vmem>>, vector<1x16xf32>,
      %broadcast_in_dim3A_107 = arith.constant 0.000000e+00 : f32
      %broadcast_in_dim3A_108 = vector.broadcast %broadcast_in_dim3A_107 : f32 to vector<16xf32>
      %swap3A_109 = arith.index_cast %scan3A_94 : i32 to index
      %swap3A_110 = arith.constant 32 : index
      %swap3A_111 = tpu.vector_load %arg9[%swap3A_109, %swap3A_110] {strides = array<i32>} : memref<128x128xf32, #tpu.memory_space<vmem>>, vector<1x16xf32>,
      %swap3A_112 = vector.shape_cast %swap3A_111 : vector<1x16xf32> to vector<16xf32>
      %swap3A_113 = vector.shape_cast %broadcast_in_dim3A_108 : vector<16xf32> to vector<1x16xf32>
      tpu.vector_store %arg9[%swap3A_109, %swap3A_110], %swap3A_113 {strides = array<i32>} : memref<128x128xf32, #tpu.memory_space<vmem>>, vector<1x16xf32>,
      %broadcast_in_dim3A_114 = arith.constant 0.000000e+00 : f32
      %broadcast_in_dim3A_115 = vector.broadcast %broadcast_in_dim3A_114 : f32 to vector<16xf32>
      %swap3A_116 = arith.index_cast %scan3A_94 : i32 to index
      %swap3A_117 = arith.constant 48 : index
      %swap3A_118 = tpu.vector_load %arg9[%swap3A_116, %swap3A_117] {strides = array<i32>} : memref<128x128xf32, #tpu.memory_space<vmem>>, vector<1x16xf32>,
      %swap3A_119 = vector.shape_cast %swap3A_118 : vector<1x16xf32> to vector<16xf32>
      %swap3A_120 = vector.shape_cast %broadcast_in_dim3A_115 : vector<16xf32> to vector<1x16xf32>
      tpu.vector_store %arg9[%swap3A_116, %swap3A_117], %swap3A_120 {strides = array<i32>} : memref<128x128xf32, #tpu.memory_space<vmem>>, vector<1x16xf32>,
      %broadcast_in_dim3A_121 = arith.constant 0.000000e+00 : f32
      %broadcast_in_dim3A_122 = vector.broadcast %broadcast_in_dim3A_121 : f32 to vector<16xf32>
      %swap3A_123 = arith.index_cast %scan3A_94 : i32 to index
      %swap3A_124 = arith.constant 64 : index
      %swap3A_125 = tpu.vector_load %arg9[%swap3A_123, %swap3A_124] {strides = array<i32>} : memref<128x128xf32, #tpu.memory_space<vmem>>, vector<1x16xf32>,
      %swap3A_126 = vector.shape_cast %swap3A_125 : vector<1x16xf32> to vector<16xf32>
      %swap3A_127 = vector.shape_cast %broadcast_in_dim3A_122 : vector<16xf32> to vector<1x16xf32>
      tpu.vector_store %arg9[%swap3A_123, %swap3A_124], %swap3A_127 {strides = array<i32>} : memref<128x128xf32, #tpu.memory_space<vmem>>, vector<1x16xf32>,
      %broadcast_in_dim3A_128 = arith.constant 0.000000e+00 : f32
      %broadcast_in_dim3A_129 = vector.broadcast %broadcast_in_dim3A_128 : f32 to vector<16xf32>
      %swap3A_130 = arith.index_cast %scan3A_94 : i32 to index
      %swap3A_131 = arith.constant 80 : index
      %swap3A_132 = tpu.vector_load %arg9[%swap3A_130, %swap3A_131] {strides = array<i32>} : memref<128x128xf32, #tpu.memory_space<vmem>>, vector<1x16xf32>,
      %swap3A_133 = vector.shape_cast %swap3A_132 : vector<1x16xf32> to vector<16xf32>
      %swap3A_134 = vector.shape_cast %broadcast_in_dim3A_129 : vector<16xf32> to vector<1x16xf32>
      tpu.vector_store %arg9[%swap3A_130, %swap3A_131], %swap3A_134 {strides = array<i32>} : memref<128x128xf32, #tpu.memory_space<vmem>>, vector<1x16xf32>,
      %broadcast_in_dim3A_135 = arith.constant 0.000000e+00 : f32
      %broadcast_in_dim3A_136 = vector.broadcast %broadcast_in_dim3A_135 : f32 to vector<16xf32>
      %swap3A_137 = arith.index_cast %scan3A_94 : i32 to index
      %swap3A_138 = arith.constant 96 : index
      %swap3A_139 = tpu.vector_load %arg9[%swap3A_137, %swap3A_138] {strides = array<i32>} : memref<128x128xf32, #tpu.memory_space<vmem>>, vector<1x16xf32>,
      %swap3A_140 = vector.shape_cast %swap3A_139 : vector<1x16xf32> to vector<16xf32>
      %swap3A_141 = vector.shape_cast %broadcast_in_dim3A_136 : vector<16xf32> to vector<1x16xf32>
      tpu.vector_store %arg9[%swap3A_137, %swap3A_138], %swap3A_141 {strides = array<i32>} : memref<128x128xf32, #tpu.memory_space<vmem>>, vector<1x16xf32>,
      %broadcast_in_dim3A_142 = arith.constant 0.000000e+00 : f32
      %broadcast_in_dim3A_143 = vector.broadcast %broadcast_in_dim3A_142 : f32 to vector<16xf32>
      %swap3A_144 = arith.index_cast %scan3A_94 : i32 to index
      %swap3A_145 = arith.constant 112 : index
      %swap3A_146 = tpu.vector_load %arg9[%swap3A_144, %swap3A_145] {strides = array<i32>} : memref<128x128xf32, #tpu.memory_space<vmem>>, vector<1x16xf32>,
      %swap3A_147 = vector.shape_cast %swap3A_146 : vector<1x16xf32> to vector<16xf32>
      %swap3A_148 = vector.shape_cast %broadcast_in_dim3A_143 : vector<16xf32> to vector<1x16xf32>
      tpu.vector_store %arg9[%swap3A_144, %swap3A_145], %swap3A_148 {strides = array<i32>} : memref<128x128xf32, #tpu.memory_space<vmem>>, vector<1x16xf32>,
    }
    %scan3A_5 = arith.constant 128 : i32
    %mul3A_6 = arith.constant 640 : i32
    %mul3A_7 = arith.muli %arg1, %mul3A_6 : i32
    %add3A_8 = arith.constant 0 : i32
    %add3A_9 = arith.addi %mul3A_7, %add3A_8 : i32
    "tpu.region"() ({
      %run_scoped3A_94 = tpu.sem_alloc : memref<!tpu.dma_semaphore, #tpu.memory_space<semaphore_mem>>
      %dma_start3A_95 = arith.constant 0 : i32
      %dma_start3A_96 = tpu.memref_slice %arg8[%add3A_9, %dma_start3A_95] : memref<10240x128xf32, #tpu.memory_space<vmem_shared>> -> memref<128x128xf32, #tpu.memory_space<vmem_shared>>
      %dma_start3A_97 = arith.constant 0 : i32
      %dma_start3A_98 = tpu.memref_slice %arg8[%add3A_9, %dma_start3A_97] : memref<10240x128xf32, #tpu.memory_space<vmem_shared>> -> memref<128x128xf32, #tpu.memory_space<vmem_shared>>
      tpu.enqueue_dma source(%arg9 : memref<128x128xf32, #tpu.memory_space<vmem>>) target(%dma_start3A_98 : memref<128x128xf32, #tpu.memory_space<vmem_shared>>) target_semaphore(%run_scoped3A_94 : memref<!tpu.dma_semaphore, #tpu.memory_space<semaphore_mem>>)
      %dma_wait3A_99 = arith.constant 0 : i32
      %dma_wait3A_100 = tpu.memref_slice %arg8[%add3A_9, %dma_wait3A_99] : memref<10240x128xf32, #tpu.memory_space<vmem_shared>> -> memref<128x128xf32, #tpu.memory_space<vmem_shared>>
      %dma_wait3A_101 = arith.constant 0 : i32
      %dma_wait3A_102 = tpu.memref_slice %arg8[%add3A_9, %dma_wait3A_101] : memref<10240x128xf32, #tpu.memory_space<vmem_shared>> -> memref<128x128xf32, #tpu.memory_space<vmem_shared>>
      tpu.wait_dma2 semaphore(%run_scoped3A_94 : memref<!tpu.dma_semaphore, #tpu.memory_space<semaphore_mem>>) src(%arg9 : memref<128x128xf32, #tpu.memory_space<vmem>>) dst(%dma_wait3A_102 : memref<128x128xf32, #tpu.memory_space<vmem_shared>>)
      tpu.yield
    }) : () -> ()
    %add3A_10 = arith.constant 128 : i32
    %add3A_11 = arith.addi %mul3A_7, %add3A_10 : i32
    "tpu.region"() ({
      %run_scoped3A_94 = tpu.sem_alloc : memref<!tpu.dma_semaphore, #tpu.memory_space<semaphore_mem>>
      %dma_start3A_95 = arith.constant 0 : i32
      %dma_start3A_96 = tpu.memref_slice %arg8[%add3A_11, %dma_start3A_95] : memref<10240x128xf32, #tpu.memory_space<vmem_shared>> -> memref<128x128xf32, #tpu.memory_space<vmem_shared>>
      %dma_start3A_97 = arith.constant 0 : i32
      %dma_start3A_98 = tpu.memref_slice %arg8[%add3A_11, %dma_start3A_97] : memref<10240x128xf32, #tpu.memory_space<vmem_shared>> -> memref<128x128xf32, #tpu.memory_space<vmem_shared>>
      tpu.enqueue_dma source(%arg9 : memref<128x128xf32, #tpu.memory_space<vmem>>) target(%dma_start3A_98 : memref<128x128xf32, #tpu.memory_space<vmem_shared>>) target_semaphore(%run_scoped3A_94 : memref<!tpu.dma_semaphore, #tpu.memory_space<semaphore_mem>>)
      %dma_wait3A_99 = arith.constant 0 : i32
      %dma_wait3A_100 = tpu.memref_slice %arg8[%add3A_11, %dma_wait3A_99] : memref<10240x128xf32, #tpu.memory_space<vmem_shared>> -> memref<128x128xf32, #tpu.memory_space<vmem_shared>>
      %dma_wait3A_101 = arith.constant 0 : i32
      %dma_wait3A_102 = tpu.memref_slice %arg8[%add3A_11, %dma_wait3A_101] : memref<10240x128xf32, #tpu.memory_space<vmem_shared>> -> memref<128x128xf32, #tpu.memory_space<vmem_shared>>
      tpu.wait_dma2 semaphore(%run_scoped3A_94 : memref<!tpu.dma_semaphore, #tpu.memory_space<semaphore_mem>>) src(%arg9 : memref<128x128xf32, #tpu.memory_space<vmem>>) dst(%dma_wait3A_102 : memref<128x128xf32, #tpu.memory_space<vmem_shared>>)
      tpu.yield
    }) : () -> ()
    %add3A_12 = arith.constant 256 : i32
    %add3A_13 = arith.addi %mul3A_7, %add3A_12 : i32
    "tpu.region"() ({
      %run_scoped3A_94 = tpu.sem_alloc : memref<!tpu.dma_semaphore, #tpu.memory_space<semaphore_mem>>
      %dma_start3A_95 = arith.constant 0 : i32
      %dma_start3A_96 = tpu.memref_slice %arg8[%add3A_13, %dma_start3A_95] : memref<10240x128xf32, #tpu.memory_space<vmem_shared>> -> memref<128x128xf32, #tpu.memory_space<vmem_shared>>
      %dma_start3A_97 = arith.constant 0 : i32
      %dma_start3A_98 = tpu.memref_slice %arg8[%add3A_13, %dma_start3A_97] : memref<10240x128xf32, #tpu.memory_space<vmem_shared>> -> memref<128x128xf32, #tpu.memory_space<vmem_shared>>
      tpu.enqueue_dma source(%arg9 : memref<128x128xf32, #tpu.memory_space<vmem>>) target(%dma_start3A_98 : memref<128x128xf32, #tpu.memory_space<vmem_shared>>) target_semaphore(%run_scoped3A_94 : memref<!tpu.dma_semaphore, #tpu.memory_space<semaphore_mem>>)
      %dma_wait3A_99 = arith.constant 0 : i32
      %dma_wait3A_100 = tpu.memref_slice %arg8[%add3A_13, %dma_wait3A_99] : memref<10240x128xf32, #tpu.memory_space<vmem_shared>> -> memref<128x128xf32, #tpu.memory_space<vmem_shared>>
      %dma_wait3A_101 = arith.constant 0 : i32
      %dma_wait3A_102 = tpu.memref_slice %arg8[%add3A_13, %dma_wait3A_101] : memref<10240x128xf32, #tpu.memory_space<vmem_shared>> -> memref<128x128xf32, #tpu.memory_space<vmem_shared>>
      tpu.wait_dma2 semaphore(%run_scoped3A_94 : memref<!tpu.dma_semaphore, #tpu.memory_space<semaphore_mem>>) src(%arg9 : memref<128x128xf32, #tpu.memory_space<vmem>>) dst(%dma_wait3A_102 : memref<128x128xf32, #tpu.memory_space<vmem_shared>>)
      tpu.yield
    }) : () -> ()
    %add3A_14 = arith.constant 384 : i32
    %add3A_15 = arith.addi %mul3A_7, %add3A_14 : i32
    "tpu.region"() ({
      %run_scoped3A_94 = tpu.sem_alloc : memref<!tpu.dma_semaphore, #tpu.memory_space<semaphore_mem>>
      %dma_start3A_95 = arith.constant 0 : i32
      %dma_start3A_96 = tpu.memref_slice %arg8[%add3A_15, %dma_start3A_95] : memref<10240x128xf32, #tpu.memory_space<vmem_shared>> -> memref<128x128xf32, #tpu.memory_space<vmem_shared>>
      %dma_start3A_97 = arith.constant 0 : i32
      %dma_start3A_98 = tpu.memref_slice %arg8[%add3A_15, %dma_start3A_97] : memref<10240x128xf32, #tpu.memory_space<vmem_shared>> -> memref<128x128xf32, #tpu.memory_space<vmem_shared>>
      tpu.enqueue_dma source(%arg9 : memref<128x128xf32, #tpu.memory_space<vmem>>) target(%dma_start3A_98 : memref<128x128xf32, #tpu.memory_space<vmem_shared>>) target_semaphore(%run_scoped3A_94 : memref<!tpu.dma_semaphore, #tpu.memory_space<semaphore_mem>>)
      %dma_wait3A_99 = arith.constant 0 : i32
      %dma_wait3A_100 = tpu.memref_slice %arg8[%add3A_15, %dma_wait3A_99] : memref<10240x128xf32, #tpu.memory_space<vmem_shared>> -> memref<128x128xf32, #tpu.memory_space<vmem_shared>>
      %dma_wait3A_101 = arith.constant 0 : i32
      %dma_wait3A_102 = tpu.memref_slice %arg8[%add3A_15, %dma_wait3A_101] : memref<10240x128xf32, #tpu.memory_space<vmem_shared>> -> memref<128x128xf32, #tpu.memory_space<vmem_shared>>
      tpu.wait_dma2 semaphore(%run_scoped3A_94 : memref<!tpu.dma_semaphore, #tpu.memory_space<semaphore_mem>>) src(%arg9 : memref<128x128xf32, #tpu.memory_space<vmem>>) dst(%dma_wait3A_102 : memref<128x128xf32, #tpu.memory_space<vmem_shared>>)
      tpu.yield
    }) : () -> ()
    %add3A_16 = arith.constant 512 : i32
    %add3A_17 = arith.addi %mul3A_7, %add3A_16 : i32
    "tpu.region"() ({
      %run_scoped3A_94 = tpu.sem_alloc : memref<!tpu.dma_semaphore, #tpu.memory_space<semaphore_mem>>
      %dma_start3A_95 = arith.constant 0 : i32
      %dma_start3A_96 = tpu.memref_slice %arg8[%add3A_17, %dma_start3A_95] : memref<10240x128xf32, #tpu.memory_space<vmem_shared>> -> memref<128x128xf32, #tpu.memory_space<vmem_shared>>
      %dma_start3A_97 = arith.constant 0 : i32
      %dma_start3A_98 = tpu.memref_slice %arg8[%add3A_17, %dma_start3A_97] : memref<10240x128xf32, #tpu.memory_space<vmem_shared>> -> memref<128x128xf32, #tpu.memory_space<vmem_shared>>
      tpu.enqueue_dma source(%arg9 : memref<128x128xf32, #tpu.memory_space<vmem>>) target(%dma_start3A_98 : memref<128x128xf32, #tpu.memory_space<vmem_shared>>) target_semaphore(%run_scoped3A_94 : memref<!tpu.dma_semaphore, #tpu.memory_space<semaphore_mem>>)
      %dma_wait3A_99 = arith.constant 0 : i32
      %dma_wait3A_100 = tpu.memref_slice %arg8[%add3A_17, %dma_wait3A_99] : memref<10240x128xf32, #tpu.memory_space<vmem_shared>> -> memref<128x128xf32, #tpu.memory_space<vmem_shared>>
      %dma_wait3A_101 = arith.constant 0 : i32
      %dma_wait3A_102 = tpu.memref_slice %arg8[%add3A_17, %dma_wait3A_101] : memref<10240x128xf32, #tpu.memory_space<vmem_shared>> -> memref<128x128xf32, #tpu.memory_space<vmem_shared>>
      tpu.wait_dma2 semaphore(%run_scoped3A_94 : memref<!tpu.dma_semaphore, #tpu.memory_space<semaphore_mem>>) src(%arg9 : memref<128x128xf32, #tpu.memory_space<vmem>>) dst(%dma_wait3A_102 : memref<128x128xf32, #tpu.memory_space<vmem_shared>>)
      tpu.yield
    }) : () -> ()
    %barrier3A = arith.constant 0 : index
    tpu.barrier barrier_id(%barrier3A)
    %mul3A_18 = arith.constant 80 : i32
    %mul3A_19 = arith.muli %add3A, %mul3A_18 : i32
    %add3A_20 = arith.constant 0 : i32
    %add3A_21 = arith.addi %mul3A_19, %add3A_20 : i32
    "tpu.region"() ({
      %run_scoped3A_94 = tpu.sem_alloc : memref<!tpu.dma_semaphore, #tpu.memory_space<semaphore_mem>>
      %dma_start3A_95 = arith.constant 0 : i32
      %dma_start3A_96 = tpu.memref_slice %arg3[%add3A_21, %dma_start3A_95] : memref<2560x128xi32, #tpu.memory_space<hbm>> -> memref<40x128xi32, #tpu.memory_space<hbm>>
      %dma_start3A_97 = arith.constant 0 : i32
      %dma_start3A_98 = tpu.memref_slice %arg3[%add3A_21, %dma_start3A_97] : memref<2560x128xi32, #tpu.memory_space<hbm>> -> memref<40x128xi32, #tpu.memory_space<hbm>>
      tpu.enqueue_dma source(%dma_start3A_98 : memref<40x128xi32, #tpu.memory_space<hbm>>) target(%arg6 : memref<40x128xi32, #tpu.memory_space<vmem>>) target_semaphore(%run_scoped3A_94 : memref<!tpu.dma_semaphore, #tpu.memory_space<semaphore_mem>>)
      %dma_wait3A_99 = arith.constant 0 : i32
      %dma_wait3A_100 = tpu.memref_slice %arg3[%add3A_21, %dma_wait3A_99] : memref<2560x128xi32, #tpu.memory_space<hbm>> -> memref<40x128xi32, #tpu.memory_space<hbm>>
      %dma_wait3A_101 = arith.constant 0 : i32
      %dma_wait3A_102 = tpu.memref_slice %arg3[%add3A_21, %dma_wait3A_101] : memref<2560x128xi32, #tpu.memory_space<hbm>> -> memref<40x128xi32, #tpu.memory_space<hbm>>
      tpu.wait_dma2 semaphore(%run_scoped3A_94 : memref<!tpu.dma_semaphore, #tpu.memory_space<semaphore_mem>>) src(%dma_wait3A_102 : memref<40x128xi32, #tpu.memory_space<hbm>>) dst(%arg6 : memref<40x128xi32, #tpu.memory_space<vmem>>)
      tpu.yield
    }) : () -> ()
    "tpu.region"() ({
      %run_scoped3A_94 = tpu.sem_alloc : memref<!tpu.dma_semaphore, #tpu.memory_space<semaphore_mem>>
      %dma_start3A_95 = arith.constant 0 : i32
      %dma_start3A_96 = tpu.memref_slice %arg4[%add3A_21, %dma_start3A_95] : memref<2560x128xi32, #tpu.memory_space<hbm>> -> memref<40x128xi32, #tpu.memory_space<hbm>>
      %dma_start3A_97 = arith.constant 0 : i32
      %dma_start3A_98 = tpu.memref_slice %arg4[%add3A_21, %dma_start3A_97] : memref<2560x128xi32, #tpu.memory_space<hbm>> -> memref<40x128xi32, #tpu.memory_space<hbm>>
      tpu.enqueue_dma source(%dma_start3A_98 : memref<40x128xi32, #tpu.memory_space<hbm>>) target(%arg7 : memref<40x128xi32, #tpu.memory_space<vmem>>) target_semaphore(%run_scoped3A_94 : memref<!tpu.dma_semaphore, #tpu.memory_space<semaphore_mem>>)
      %dma_wait3A_99 = arith.constant 0 : i32
      %dma_wait3A_100 = tpu.memref_slice %arg4[%add3A_21, %dma_wait3A_99] : memref<2560x128xi32, #tpu.memory_space<hbm>> -> memref<40x128xi32, #tpu.memory_space<hbm>>
      %dma_wait3A_101 = arith.constant 0 : i32
      %dma_wait3A_102 = tpu.memref_slice %arg4[%add3A_21, %dma_wait3A_101] : memref<2560x128xi32, #tpu.memory_space<hbm>> -> memref<40x128xi32, #tpu.memory_space<hbm>>
      tpu.wait_dma2 semaphore(%run_scoped3A_94 : memref<!tpu.dma_semaphore, #tpu.memory_space<semaphore_mem>>) src(%dma_wait3A_102 : memref<40x128xi32, #tpu.memory_space<hbm>>) dst(%arg7 : memref<40x128xi32, #tpu.memory_space<vmem>>)
      tpu.yield
    }) : () -> ()
    %dma_start3A = arith.constant 0 : i32
    %dma_start3A_22 = arith.constant 0 : i32
    %dma_start3A_23 = tpu.memref_slice %arg6[%dma_start3A, %dma_start3A_22] : memref<40x128xi32, #tpu.memory_space<vmem>> -> memref<1x128xi32, #tpu.memory_space<vmem>>
    %dma_start3A_24 = tpu.memref_squeeze %dma_start3A_23 : memref<1x128xi32, #tpu.memory_space<vmem>> -> memref<128xi32, #tpu.memory_space<vmem>>
    %dma_start3A_25 = arith.constant 0 : i32
    %dma_start3A_26 = arith.constant 0 : i32
    %dma_start3A_27 = tpu.memref_slice %arg2[%dma_start3A_25, %dma_start3A_26] : memref<10000x128xf32, #tpu.memory_space<hbm>> -> memref<10000x128xf32, #tpu.memory_space<hbm>>
    tpu.enqueue_indirect_dma source(%dma_start3A_27 : memref<10000x128xf32, #tpu.memory_space<hbm>>) target(%arg9 : memref<128x128xf32, #tpu.memory_space<vmem>>) offsets(%dma_start3A_24 : memref<128xi32, #tpu.memory_space<vmem>>) semaphore(%arg11 : memref<!tpu.dma_semaphore, #tpu.memory_space<semaphore_mem>>)
    %dma_start3A_28 = arith.constant 1 : i32
    %dma_start3A_29 = arith.constant 0 : i32
    %dma_start3A_30 = tpu.memref_slice %arg6[%dma_start3A_28, %dma_start3A_29] : memref<40x128xi32, #tpu.memory_space<vmem>> -> memref<1x128xi32, #tpu.memory_space<vmem>>
    %dma_start3A_31 = tpu.memref_squeeze %dma_start3A_30 : memref<1x128xi32, #tpu.memory_space<vmem>> -> memref<128xi32, #tpu.memory_space<vmem>>
    %dma_start3A_32 = arith.constant 0 : i32
    %dma_start3A_33 = arith.constant 0 : i32
    %dma_start3A_34 = tpu.memref_slice %arg2[%dma_start3A_32, %dma_start3A_33] : memref<10000x128xf32, #tpu.memory_space<hbm>> -> memref<10000x128xf32, #tpu.memory_space<hbm>>
    tpu.enqueue_indirect_dma source(%dma_start3A_34 : memref<10000x128xf32, #tpu.memory_space<hbm>>) target(%arg10 : memref<128x128xf32, #tpu.memory_space<vmem>>) offsets(%dma_start3A_31 : memref<128xi32, #tpu.memory_space<vmem>>) semaphore(%arg12 : memref<!tpu.dma_semaphore, #tpu.memory_space<semaphore_mem>>)
    %scan3A_35 = arith.constant 0 : i32
    %scan3A_36 = arith.constant 0 : i32
    %scan3A_37 = arith.constant 19 : i32
    %scan3A_38 = arith.addi %scan3A_36, %scan3A_37 : i32
    %scan3A_39 = arith.constant 1 : i32
    scf.for %scan3A_94 = %scan3A_36 to %scan3A_38 step %scan3A_39  : i32 {
      %mul3A_95 = arith.constant 2 : i32
      %mul3A_96 = arith.muli %scan3A_94, %mul3A_95 : i32
      %dma_wait3A_97 = arith.constant 0 : i32
      %dma_wait3A_98 = arith.constant 0 : i32
      %dma_wait3A_99 = tpu.memref_slice %arg6[%dma_wait3A_97, %dma_wait3A_98] : memref<40x128xi32, #tpu.memory_space<vmem>> -> memref<1x128xi32, #tpu.memory_space<vmem>>
      %dma_wait3A_100 = tpu.memref_squeeze %dma_wait3A_99 : memref<1x128xi32, #tpu.memory_space<vmem>> -> memref<128xi32, #tpu.memory_space<vmem>>
      %dma_wait3A_101 = arith.constant 0 : i32
      %dma_wait3A_102 = arith.constant 0 : i32
      %dma_wait3A_103 = tpu.memref_slice %arg2[%dma_wait3A_101, %dma_wait3A_102] : memref<10000x128xf32, #tpu.memory_space<hbm>> -> memref<10000x128xf32, #tpu.memory_space<hbm>>
      tpu.wait_indirect_dma semaphore(%arg11 : memref<!tpu.dma_semaphore, #tpu.memory_space<semaphore_mem>>) src(%dma_wait3A_103 : memref<10000x128xf32, #tpu.memory_space<hbm>>) dst(%arg9 : memref<128x128xf32, #tpu.memory_space<vmem>>)
      "tpu.region"() ({
        %run_scoped3A_129 = tpu.sem_alloc : memref<!tpu.dma_semaphore, #tpu.memory_space<semaphore_mem>>
        %dma_start3A_130 = arith.constant 0 : i32
        %dma_start3A_131 = tpu.memref_slice %arg7[%mul3A_96, %dma_start3A_130] : memref<40x128xi32, #tpu.memory_space<vmem>> -> memref<1x128xi32, #tpu.memory_space<vmem>>
        %dma_start3A_132 = tpu.memref_squeeze %dma_start3A_131 : memref<1x128xi32, #tpu.memory_space<vmem>> -> memref<128xi32, #tpu.memory_space<vmem>>
        %dma_start3A_133 = arith.constant 0 : i32
        %dma_start3A_134 = arith.constant 0 : i32
        %dma_start3A_135 = tpu.memref_slice %arg8[%dma_start3A_133, %dma_start3A_134] : memref<10240x128xf32, #tpu.memory_space<vmem_shared>> -> memref<10240x128xf32, #tpu.memory_space<vmem_shared>>
        tpu.enqueue_indirect_dma source(%arg9 : memref<128x128xf32, #tpu.memory_space<vmem>>) target(%dma_start3A_135 : memref<10240x128xf32, #tpu.memory_space<vmem_shared>>) offsets(%dma_start3A_132 : memref<128xi32, #tpu.memory_space<vmem>>) semaphore(%run_scoped3A_129 : memref<!tpu.dma_semaphore, #tpu.memory_space<semaphore_mem>>) {add = true}
        %dma_wait3A_136 = arith.constant 0 : i32
        %dma_wait3A_137 = tpu.memref_slice %arg7[%mul3A_96, %dma_wait3A_136] : memref<40x128xi32, #tpu.memory_space<vmem>> -> memref<1x128xi32, #tpu.memory_space<vmem>>
        %dma_wait3A_138 = tpu.memref_squeeze %dma_wait3A_137 : memref<1x128xi32, #tpu.memory_space<vmem>> -> memref<128xi32, #tpu.memory_space<vmem>>
        %dma_wait3A_139 = arith.constant 0 : i32
        %dma_wait3A_140 = arith.constant 0 : i32
        %dma_wait3A_141 = tpu.memref_slice %arg8[%dma_wait3A_139, %dma_wait3A_140] : memref<10240x128xf32, #tpu.memory_space<vmem_shared>> -> memref<10240x128xf32, #tpu.memory_space<vmem_shared>>
        tpu.wait_indirect_dma semaphore(%run_scoped3A_129 : memref<!tpu.dma_semaphore, #tpu.memory_space<semaphore_mem>>) src(%arg9 : memref<128x128xf32, #tpu.memory_space<vmem>>) dst(%dma_wait3A_141 : memref<10240x128xf32, #tpu.memory_space<vmem_shared>>)
        tpu.yield
      }) : () -> ()
      %add3A_104 = arith.constant 2 : i32
      %add3A_105 = arith.addi %mul3A_96, %add3A_104 : i32
      %dma_start3A_106 = arith.constant 0 : i32
      %dma_start3A_107 = tpu.memref_slice %arg6[%add3A_105, %dma_start3A_106] : memref<40x128xi32, #tpu.memory_space<vmem>> -> memref<1x128xi32, #tpu.memory_space<vmem>>
      %dma_start3A_108 = tpu.memref_squeeze %dma_start3A_107 : memref<1x128xi32, #tpu.memory_space<vmem>> -> memref<128xi32, #tpu.memory_space<vmem>>
      %dma_start3A_109 = arith.constant 0 : i32
      %dma_start3A_110 = arith.constant 0 : i32
      %dma_start3A_111 = tpu.memref_slice %arg2[%dma_start3A_109, %dma_start3A_110] : memref<10000x128xf32, #tpu.memory_space<hbm>> -> memref<10000x128xf32, #tpu.memory_space<hbm>>
      tpu.enqueue_indirect_dma source(%dma_start3A_111 : memref<10000x128xf32, #tpu.memory_space<hbm>>) target(%arg9 : memref<128x128xf32, #tpu.memory_space<vmem>>) offsets(%dma_start3A_108 : memref<128xi32, #tpu.memory_space<vmem>>) semaphore(%arg11 : memref<!tpu.dma_semaphore, #tpu.memory_space<semaphore_mem>>)
      %dma_wait3A_112 = arith.constant 1 : i32
      %dma_wait3A_113 = arith.constant 0 : i32
      %dma_wait3A_114 = tpu.memref_slice %arg6[%dma_wait3A_112, %dma_wait3A_113] : memref<40x128xi32, #tpu.memory_space<vmem>> -> memref<1x128xi32, #tpu.memory_space<vmem>>
      %dma_wait3A_115 = tpu.memref_squeeze %dma_wait3A_114 : memref<1x128xi32, #tpu.memory_space<vmem>> -> memref<128xi32, #tpu.memory_space<vmem>>
      %dma_wait3A_116 = arith.constant 0 : i32
      %dma_wait3A_117 = arith.constant 0 : i32
      %dma_wait3A_118 = tpu.memref_slice %arg2[%dma_wait3A_116, %dma_wait3A_117] : memref<10000x128xf32, #tpu.memory_space<hbm>> -> memref<10000x128xf32, #tpu.memory_space<hbm>>
      tpu.wait_indirect_dma semaphore(%arg12 : memref<!tpu.dma_semaphore, #tpu.memory_space<semaphore_mem>>) src(%dma_wait3A_118 : memref<10000x128xf32, #tpu.memory_space<hbm>>) dst(%arg10 : memref<128x128xf32, #tpu.memory_space<vmem>>)
      %add3A_119 = arith.constant 1 : i32
      %add3A_120 = arith.addi %mul3A_96, %add3A_119 : i32
      "tpu.region"() ({
        %run_scoped3A_129 = tpu.sem_alloc : memref<!tpu.dma_semaphore, #tpu.memory_space<semaphore_mem>>
        %dma_start3A_130 = arith.constant 0 : i32
        %dma_start3A_131 = tpu.memref_slice %arg7[%add3A_120, %dma_start3A_130] : memref<40x128xi32, #tpu.memory_space<vmem>> -> memref<1x128xi32, #tpu.memory_space<vmem>>
        %dma_start3A_132 = tpu.memref_squeeze %dma_start3A_131 : memref<1x128xi32, #tpu.memory_space<vmem>> -> memref<128xi32, #tpu.memory_space<vmem>>
        %dma_start3A_133 = arith.constant 0 : i32
        %dma_start3A_134 = arith.constant 0 : i32
        %dma_start3A_135 = tpu.memref_slice %arg8[%dma_start3A_133, %dma_start3A_134] : memref<10240x128xf32, #tpu.memory_space<vmem_shared>> -> memref<10240x128xf32, #tpu.memory_space<vmem_shared>>
        tpu.enqueue_indirect_dma source(%arg10 : memref<128x128xf32, #tpu.memory_space<vmem>>) target(%dma_start3A_135 : memref<10240x128xf32, #tpu.memory_space<vmem_shared>>) offsets(%dma_start3A_132 : memref<128xi32, #tpu.memory_space<vmem>>) semaphore(%run_scoped3A_129 : memref<!tpu.dma_semaphore, #tpu.memory_space<semaphore_mem>>) {add = true}
        %dma_wait3A_136 = arith.constant 0 : i32
        %dma_wait3A_137 = tpu.memref_slice %arg7[%add3A_120, %dma_wait3A_136] : memref<40x128xi32, #tpu.memory_space<vmem>> -> memref<1x128xi32, #tpu.memory_space<vmem>>
        %dma_wait3A_138 = tpu.memref_squeeze %dma_wait3A_137 : memref<1x128xi32, #tpu.memory_space<vmem>> -> memref<128xi32, #tpu.memory_space<vmem>>
        %dma_wait3A_139 = arith.constant 0 : i32
        %dma_wait3A_140 = arith.constant 0 : i32
        %dma_wait3A_141 = tpu.memref_slice %arg8[%dma_wait3A_139, %dma_wait3A_140] : memref<10240x128xf32, #tpu.memory_space<vmem_shared>> -> memref<10240x128xf32, #tpu.memory_space<vmem_shared>>
        tpu.wait_indirect_dma semaphore(%run_scoped3A_129 : memref<!tpu.dma_semaphore, #tpu.memory_space<semaphore_mem>>) src(%arg10 : memref<128x128xf32, #tpu.memory_space<vmem>>) dst(%dma_wait3A_141 : memref<10240x128xf32, #tpu.memory_space<vmem_shared>>)
        tpu.yield
      }) : () -> ()
      %add3A_121 = arith.constant 3 : i32
      %add3A_122 = arith.addi %mul3A_96, %add3A_121 : i32
      %dma_start3A_123 = arith.constant 0 : i32
      %dma_start3A_124 = tpu.memref_slice %arg6[%add3A_122, %dma_start3A_123] : memref<40x128xi32, #tpu.memory_space<vmem>> -> memref<1x128xi32, #tpu.memory_space<vmem>>
      %dma_start3A_125 = tpu.memref_squeeze %dma_start3A_124 : memref<1x128xi32, #tpu.memory_space<vmem>> -> memref<128xi32, #tpu.memory_space<vmem>>
      %dma_start3A_126 = arith.constant 0 : i32
      %dma_start3A_127 = arith.constant 0 : i32
      %dma_start3A_128 = tpu.memref_slice %arg2[%dma_start3A_126, %dma_start3A_127] : memref<10000x128xf32, #tpu.memory_space<hbm>> -> memref<10000x128xf32, #tpu.memory_space<hbm>>
      tpu.enqueue_indirect_dma source(%dma_start3A_128 : memref<10000x128xf32, #tpu.memory_space<hbm>>) target(%arg10 : memref<128x128xf32, #tpu.memory_space<vmem>>) offsets(%dma_start3A_125 : memref<128xi32, #tpu.memory_space<vmem>>) semaphore(%arg12 : memref<!tpu.dma_semaphore, #tpu.memory_space<semaphore_mem>>)
    }
    %scan3A_40 = arith.constant 19 : i32
    %dma_wait3A = arith.constant 0 : i32
    %dma_wait3A_41 = arith.constant 0 : i32
    %dma_wait3A_42 = tpu.memref_slice %arg6[%dma_wait3A, %dma_wait3A_41] : memref<40x128xi32, #tpu.memory_space<vmem>> -> memref<1x128xi32, #tpu.memory_space<vmem>>
    %dma_wait3A_43 = tpu.memref_squeeze %dma_wait3A_42 : memref<1x128xi32, #tpu.memory_space<vmem>> -> memref<128xi32, #tpu.memory_space<vmem>>
    %dma_wait3A_44 = arith.constant 0 : i32
    %dma_wait3A_45 = arith.constant 0 : i32
    %dma_wait3A_46 = tpu.memref_slice %arg2[%dma_wait3A_44, %dma_wait3A_45] : memref<10000x128xf32, #tpu.memory_space<hbm>> -> memref<10000x128xf32, #tpu.memory_space<hbm>>
    tpu.wait_indirect_dma semaphore(%arg11 : memref<!tpu.dma_semaphore, #tpu.memory_space<semaphore_mem>>) src(%dma_wait3A_46 : memref<10000x128xf32, #tpu.memory_space<hbm>>) dst(%arg9 : memref<128x128xf32, #tpu.memory_space<vmem>>)
    %run_scoped3A = arith.constant 38 : i32
    "tpu.region"() ({
      %run_scoped3A_94 = tpu.sem_alloc : memref<!tpu.dma_semaphore, #tpu.memory_space<semaphore_mem>>
      %dma_start3A_95 = arith.constant 0 : i32
      %dma_start3A_96 = tpu.memref_slice %arg7[%run_scoped3A, %dma_start3A_95] : memref<40x128xi32, #tpu.memory_space<vmem>> -> memref<1x128xi32, #tpu.memory_space<vmem>>
      %dma_start3A_97 = tpu.memref_squeeze %dma_start3A_96 : memref<1x128xi32, #tpu.memory_space<vmem>> -> memref<128xi32, #tpu.memory_space<vmem>>
      %dma_start3A_98 = arith.constant 0 : i32
      %dma_start3A_99 = arith.constant 0 : i32
      %dma_start3A_100 = tpu.memref_slice %arg8[%dma_start3A_98, %dma_start3A_99] : memref<10240x128xf32, #tpu.memory_space<vmem_shared>> -> memref<10240x128xf32, #tpu.memory_space<vmem_shared>>
      tpu.enqueue_indirect_dma source(%arg9 : memref<128x128xf32, #tpu.memory_space<vmem>>) target(%dma_start3A_100 : memref<10240x128xf32, #tpu.memory_space<vmem_shared>>) offsets(%dma_start3A_97 : memref<128xi32, #tpu.memory_space<vmem>>) semaphore(%run_scoped3A_94 : memref<!tpu.dma_semaphore, #tpu.memory_space<semaphore_mem>>) {add = true}
      %dma_wait3A_101 = arith.constant 0 : i32
      %dma_wait3A_102 = tpu.memref_slice %arg7[%run_scoped3A, %dma_wait3A_101] : memref<40x128xi32, #tpu.memory_space<vmem>> -> memref<1x128xi32, #tpu.memory_space<vmem>>
      %dma_wait3A_103 = tpu.memref_squeeze %dma_wait3A_102 : memref<1x128xi32, #tpu.memory_space<vmem>> -> memref<128xi32, #tpu.memory_space<vmem>>
      %dma_wait3A_104 = arith.constant 0 : i32
      %dma_wait3A_105 = arith.constant 0 : i32
      %dma_wait3A_106 = tpu.memref_slice %arg8[%dma_wait3A_104, %dma_wait3A_105] : memref<10240x128xf32, #tpu.memory_space<vmem_shared>> -> memref<10240x128xf32, #tpu.memory_space<vmem_shared>>
      tpu.wait_indirect_dma semaphore(%run_scoped3A_94 : memref<!tpu.dma_semaphore, #tpu.memory_space<semaphore_mem>>) src(%arg9 : memref<128x128xf32, #tpu.memory_space<vmem>>) dst(%dma_wait3A_106 : memref<10240x128xf32, #tpu.memory_space<vmem_shared>>)
      tpu.yield
    }) : () -> ()
    %dma_wait3A_47 = arith.constant 1 : i32
    %dma_wait3A_48 = arith.constant 0 : i32
    %dma_wait3A_49 = tpu.memref_slice %arg6[%dma_wait3A_47, %dma_wait3A_48] : memref<40x128xi32, #tpu.memory_space<vmem>> -> memref<1x128xi32, #tpu.memory_space<vmem>>
    %dma_wait3A_50 = tpu.memref_squeeze %dma_wait3A_49 : memref<1x128xi32, #tpu.memory_space<vmem>> -> memref<128xi32, #tpu.memory_space<vmem>>
    %dma_wait3A_51 = arith.constant 0 : i32
    %dma_wait3A_52 = arith.constant 0 : i32
    %dma_wait3A_53 = tpu.memref_slice %arg2[%dma_wait3A_51, %dma_wait3A_52] : memref<10000x128xf32, #tpu.memory_space<hbm>> -> memref<10000x128xf32, #tpu.memory_space<hbm>>
    tpu.wait_indirect_dma semaphore(%arg12 : memref<!tpu.dma_semaphore, #tpu.memory_space<semaphore_mem>>) src(%dma_wait3A_53 : memref<10000x128xf32, #tpu.memory_space<hbm>>) dst(%arg10 : memref<128x128xf32, #tpu.memory_space<vmem>>)
    %run_scoped3A_54 = arith.constant 39 : i32
    "tpu.region"() ({
      %run_scoped3A_94 = tpu.sem_alloc : memref<!tpu.dma_semaphore, #tpu.memory_space<semaphore_mem>>
      %dma_start3A_95 = arith.constant 0 : i32
      %dma_start3A_96 = tpu.memref_slice %arg7[%run_scoped3A_54, %dma_start3A_95] : memref<40x128xi32, #tpu.memory_space<vmem>> -> memref<1x128xi32, #tpu.memory_space<vmem>>
      %dma_start3A_97 = tpu.memref_squeeze %dma_start3A_96 : memref<1x128xi32, #tpu.memory_space<vmem>> -> memref<128xi32, #tpu.memory_space<vmem>>
      %dma_start3A_98 = arith.constant 0 : i32
      %dma_start3A_99 = arith.constant 0 : i32
      %dma_start3A_100 = tpu.memref_slice %arg8[%dma_start3A_98, %dma_start3A_99] : memref<10240x128xf32, #tpu.memory_space<vmem_shared>> -> memref<10240x128xf32, #tpu.memory_space<vmem_shared>>
      tpu.enqueue_indirect_dma source(%arg10 : memref<128x128xf32, #tpu.memory_space<vmem>>) target(%dma_start3A_100 : memref<10240x128xf32, #tpu.memory_space<vmem_shared>>) offsets(%dma_start3A_97 : memref<128xi32, #tpu.memory_space<vmem>>) semaphore(%run_scoped3A_94 : memref<!tpu.dma_semaphore, #tpu.memory_space<semaphore_mem>>) {add = true}
      %dma_wait3A_101 = arith.constant 0 : i32
      %dma_wait3A_102 = tpu.memref_slice %arg7[%run_scoped3A_54, %dma_wait3A_101] : memref<40x128xi32, #tpu.memory_space<vmem>> -> memref<1x128xi32, #tpu.memory_space<vmem>>
      %dma_wait3A_103 = tpu.memref_squeeze %dma_wait3A_102 : memref<1x128xi32, #tpu.memory_space<vmem>> -> memref<128xi32, #tpu.memory_space<vmem>>
      %dma_wait3A_104 = arith.constant 0 : i32
      %dma_wait3A_105 = arith.constant 0 : i32
      %dma_wait3A_106 = tpu.memref_slice %arg8[%dma_wait3A_104, %dma_wait3A_105] : memref<10240x128xf32, #tpu.memory_space<vmem_shared>> -> memref<10240x128xf32, #tpu.memory_space<vmem_shared>>
      tpu.wait_indirect_dma semaphore(%run_scoped3A_94 : memref<!tpu.dma_semaphore, #tpu.memory_space<semaphore_mem>>) src(%arg10 : memref<128x128xf32, #tpu.memory_space<vmem>>) dst(%dma_wait3A_106 : memref<10240x128xf32, #tpu.memory_space<vmem_shared>>)
      tpu.yield
    }) : () -> ()
    %add3A_55 = arith.constant 40 : i32
    %add3A_56 = arith.addi %mul3A_19, %add3A_55 : i32
    "tpu.region"() ({
      %run_scoped3A_94 = tpu.sem_alloc : memref<!tpu.dma_semaphore, #tpu.memory_space<semaphore_mem>>
      %dma_start3A_95 = arith.constant 0 : i32
      %dma_start3A_96 = tpu.memref_slice %arg3[%add3A_56, %dma_start3A_95] : memref<2560x128xi32, #tpu.memory_space<hbm>> -> memref<40x128xi32, #tpu.memory_space<hbm>>
      %dma_start3A_97 = arith.constant 0 : i32
      %dma_start3A_98 = tpu.memref_slice %arg3[%add3A_56, %dma_start3A_97] : memref<2560x128xi32, #tpu.memory_space<hbm>> -> memref<40x128xi32, #tpu.memory_space<hbm>>
      tpu.enqueue_dma source(%dma_start3A_98 : memref<40x128xi32, #tpu.memory_space<hbm>>) target(%arg6 : memref<40x128xi32, #tpu.memory_space<vmem>>) target_semaphore(%run_scoped3A_94 : memref<!tpu.dma_semaphore, #tpu.memory_space<semaphore_mem>>)
      %dma_wait3A_99 = arith.constant 0 : i32
      %dma_wait3A_100 = tpu.memref_slice %arg3[%add3A_56, %dma_wait3A_99] : memref<2560x128xi32, #tpu.memory_space<hbm>> -> memref<40x128xi32, #tpu.memory_space<hbm>>
      %dma_wait3A_101 = arith.constant 0 : i32
      %dma_wait3A_102 = tpu.memref_slice %arg3[%add3A_56, %dma_wait3A_101] : memref<2560x128xi32, #tpu.memory_space<hbm>> -> memref<40x128xi32, #tpu.memory_space<hbm>>
      tpu.wait_dma2 semaphore(%run_scoped3A_94 : memref<!tpu.dma_semaphore, #tpu.memory_space<semaphore_mem>>) src(%dma_wait3A_102 : memref<40x128xi32, #tpu.memory_space<hbm>>) dst(%arg6 : memref<40x128xi32, #tpu.memory_space<vmem>>)
      tpu.yield
    }) : () -> ()
    "tpu.region"() ({
      %run_scoped3A_94 = tpu.sem_alloc : memref<!tpu.dma_semaphore, #tpu.memory_space<semaphore_mem>>
      %dma_start3A_95 = arith.constant 0 : i32
      %dma_start3A_96 = tpu.memref_slice %arg4[%add3A_56, %dma_start3A_95] : memref<2560x128xi32, #tpu.memory_space<hbm>> -> memref<40x128xi32, #tpu.memory_space<hbm>>
      %dma_start3A_97 = arith.constant 0 : i32
      %dma_start3A_98 = tpu.memref_slice %arg4[%add3A_56, %dma_start3A_97] : memref<2560x128xi32, #tpu.memory_space<hbm>> -> memref<40x128xi32, #tpu.memory_space<hbm>>
      tpu.enqueue_dma source(%dma_start3A_98 : memref<40x128xi32, #tpu.memory_space<hbm>>) target(%arg7 : memref<40x128xi32, #tpu.memory_space<vmem>>) target_semaphore(%run_scoped3A_94 : memref<!tpu.dma_semaphore, #tpu.memory_space<semaphore_mem>>)
      %dma_wait3A_99 = arith.constant 0 : i32
      %dma_wait3A_100 = tpu.memref_slice %arg4[%add3A_56, %dma_wait3A_99] : memref<2560x128xi32, #tpu.memory_space<hbm>> -> memref<40x128xi32, #tpu.memory_space<hbm>>
      %dma_wait3A_101 = arith.constant 0 : i32
      %dma_wait3A_102 = tpu.memref_slice %arg4[%add3A_56, %dma_wait3A_101] : memref<2560x128xi32, #tpu.memory_space<hbm>> -> memref<40x128xi32, #tpu.memory_space<hbm>>
      tpu.wait_dma2 semaphore(%run_scoped3A_94 : memref<!tpu.dma_semaphore, #tpu.memory_space<semaphore_mem>>) src(%dma_wait3A_102 : memref<40x128xi32, #tpu.memory_space<hbm>>) dst(%arg7 : memref<40x128xi32, #tpu.memory_space<vmem>>)
      tpu.yield
    }) : () -> ()
    %dma_start3A_57 = arith.constant 0 : i32
    %dma_start3A_58 = arith.constant 0 : i32
    %dma_start3A_59 = tpu.memref_slice %arg6[%dma_start3A_57, %dma_start3A_58] : memref<40x128xi32, #tpu.memory_space<vmem>> -> memref<1x128xi32, #tpu.memory_space<vmem>>
    %dma_start3A_60 = tpu.memref_squeeze %dma_start3A_59 : memref<1x128xi32, #tpu.memory_space<vmem>> -> memref<128xi32, #tpu.memory_space<vmem>>
    %dma_start3A_61 = arith.constant 0 : i32
    %dma_start3A_62 = arith.constant 0 : i32
    %dma_start3A_63 = tpu.memref_slice %arg2[%dma_start3A_61, %dma_start3A_62] : memref<10000x128xf32, #tpu.memory_space<hbm>> -> memref<10000x128xf32, #tpu.memory_space<hbm>>
    tpu.enqueue_indirect_dma source(%dma_start3A_63 : memref<10000x128xf32, #tpu.memory_space<hbm>>) target(%arg9 : memref<128x128xf32, #tpu.memory_space<vmem>>) offsets(%dma_start3A_60 : memref<128xi32, #tpu.memory_space<vmem>>) semaphore(%arg11 : memref<!tpu.dma_semaphore, #tpu.memory_space<semaphore_mem>>)
    %dma_start3A_64 = arith.constant 1 : i32
    %dma_start3A_65 = arith.constant 0 : i32
    %dma_start3A_66 = tpu.memref_slice %arg6[%dma_start3A_64, %dma_start3A_65] : memref<40x128xi32, #tpu.memory_space<vmem>> -> memref<1x128xi32, #tpu.memory_space<vmem>>
    %dma_start3A_67 = tpu.memref_squeeze %dma_start3A_66 : memref<1x128xi32, #tpu.memory_space<vmem>> -> memref<128xi32, #tpu.memory_space<vmem>>
    %dma_start3A_68 = arith.constant 0 : i32
    %dma_start3A_69 = arith.constant 0 : i32
    %dma_start3A_70 = tpu.memref_slice %arg2[%dma_start3A_68, %dma_start3A_69] : memref<10000x128xf32, #tpu.memory_space<hbm>> -> memref<10000x128xf32, #tpu.memory_space<hbm>>
    tpu.enqueue_indirect_dma source(%dma_start3A_70 : memref<10000x128xf32, #tpu.memory_space<hbm>>) target(%arg10 : memref<128x128xf32, #tpu.memory_space<vmem>>) offsets(%dma_start3A_67 : memref<128xi32, #tpu.memory_space<vmem>>) semaphore(%arg12 : memref<!tpu.dma_semaphore, #tpu.memory_space<semaphore_mem>>)
    %scan3A_71 = arith.constant 0 : i32
    %scan3A_72 = arith.constant 0 : i32
    %scan3A_73 = arith.constant 19 : i32
    %scan3A_74 = arith.addi %scan3A_72, %scan3A_73 : i32
    %scan3A_75 = arith.constant 1 : i32
    scf.for %scan3A_94 = %scan3A_72 to %scan3A_74 step %scan3A_75  : i32 {
      %mul3A_95 = arith.constant 2 : i32
      %mul3A_96 = arith.muli %scan3A_94, %mul3A_95 : i32
      %dma_wait3A_97 = arith.constant 0 : i32
      %dma_wait3A_98 = arith.constant 0 : i32
      %dma_wait3A_99 = tpu.memref_slice %arg6[%dma_wait3A_97, %dma_wait3A_98] : memref<40x128xi32, #tpu.memory_space<vmem>> -> memref<1x128xi32, #tpu.memory_space<vmem>>
      %dma_wait3A_100 = tpu.memref_squeeze %dma_wait3A_99 : memref<1x128xi32, #tpu.memory_space<vmem>> -> memref<128xi32, #tpu.memory_space<vmem>>
      %dma_wait3A_101 = arith.constant 0 : i32
      %dma_wait3A_102 = arith.constant 0 : i32
      %dma_wait3A_103 = tpu.memref_slice %arg2[%dma_wait3A_101, %dma_wait3A_102] : memref<10000x128xf32, #tpu.memory_space<hbm>> -> memref<10000x128xf32, #tpu.memory_space<hbm>>
      tpu.wait_indirect_dma semaphore(%arg11 : memref<!tpu.dma_semaphore, #tpu.memory_space<semaphore_mem>>) src(%dma_wait3A_103 : memref<10000x128xf32, #tpu.memory_space<hbm>>) dst(%arg9 : memref<128x128xf32, #tpu.memory_space<vmem>>)
      "tpu.region"() ({
        %run_scoped3A_129 = tpu.sem_alloc : memref<!tpu.dma_semaphore, #tpu.memory_space<semaphore_mem>>
        %dma_start3A_130 = arith.constant 0 : i32
        %dma_start3A_131 = tpu.memref_slice %arg7[%mul3A_96, %dma_start3A_130] : memref<40x128xi32, #tpu.memory_space<vmem>> -> memref<1x128xi32, #tpu.memory_space<vmem>>
        %dma_start3A_132 = tpu.memref_squeeze %dma_start3A_131 : memref<1x128xi32, #tpu.memory_space<vmem>> -> memref<128xi32, #tpu.memory_space<vmem>>
        %dma_start3A_133 = arith.constant 0 : i32
        %dma_start3A_134 = arith.constant 0 : i32
        %dma_start3A_135 = tpu.memref_slice %arg8[%dma_start3A_133, %dma_start3A_134] : memref<10240x128xf32, #tpu.memory_space<vmem_shared>> -> memref<10240x128xf32, #tpu.memory_space<vmem_shared>>
        tpu.enqueue_indirect_dma source(%arg9 : memref<128x128xf32, #tpu.memory_space<vmem>>) target(%dma_start3A_135 : memref<10240x128xf32, #tpu.memory_space<vmem_shared>>) offsets(%dma_start3A_132 : memref<128xi32, #tpu.memory_space<vmem>>) semaphore(%run_scoped3A_129 : memref<!tpu.dma_semaphore, #tpu.memory_space<semaphore_mem>>) {add = true}
        %dma_wait3A_136 = arith.constant 0 : i32
        %dma_wait3A_137 = tpu.memref_slice %arg7[%mul3A_96, %dma_wait3A_136] : memref<40x128xi32, #tpu.memory_space<vmem>> -> memref<1x128xi32, #tpu.memory_space<vmem>>
        %dma_wait3A_138 = tpu.memref_squeeze %dma_wait3A_137 : memref<1x128xi32, #tpu.memory_space<vmem>> -> memref<128xi32, #tpu.memory_space<vmem>>
        %dma_wait3A_139 = arith.constant 0 : i32
        %dma_wait3A_140 = arith.constant 0 : i32
        %dma_wait3A_141 = tpu.memref_slice %arg8[%dma_wait3A_139, %dma_wait3A_140] : memref<10240x128xf32, #tpu.memory_space<vmem_shared>> -> memref<10240x128xf32, #tpu.memory_space<vmem_shared>>
        tpu.wait_indirect_dma semaphore(%run_scoped3A_129 : memref<!tpu.dma_semaphore, #tpu.memory_space<semaphore_mem>>) src(%arg9 : memref<128x128xf32, #tpu.memory_space<vmem>>) dst(%dma_wait3A_141 : memref<10240x128xf32, #tpu.memory_space<vmem_shared>>)
        tpu.yield
      }) : () -> ()
      %add3A_104 = arith.constant 2 : i32
      %add3A_105 = arith.addi %mul3A_96, %add3A_104 : i32
      %dma_start3A_106 = arith.constant 0 : i32
      %dma_start3A_107 = tpu.memref_slice %arg6[%add3A_105, %dma_start3A_106] : memref<40x128xi32, #tpu.memory_space<vmem>> -> memref<1x128xi32, #tpu.memory_space<vmem>>
      %dma_start3A_108 = tpu.memref_squeeze %dma_start3A_107 : memref<1x128xi32, #tpu.memory_space<vmem>> -> memref<128xi32, #tpu.memory_space<vmem>>
      %dma_start3A_109 = arith.constant 0 : i32
      %dma_start3A_110 = arith.constant 0 : i32
      %dma_start3A_111 = tpu.memref_slice %arg2[%dma_start3A_109, %dma_start3A_110] : memref<10000x128xf32, #tpu.memory_space<hbm>> -> memref<10000x128xf32, #tpu.memory_space<hbm>>
      tpu.enqueue_indirect_dma source(%dma_start3A_111 : memref<10000x128xf32, #tpu.memory_space<hbm>>) target(%arg9 : memref<128x128xf32, #tpu.memory_space<vmem>>) offsets(%dma_start3A_108 : memref<128xi32, #tpu.memory_space<vmem>>) semaphore(%arg11 : memref<!tpu.dma_semaphore, #tpu.memory_space<semaphore_mem>>)
      %dma_wait3A_112 = arith.constant 1 : i32
      %dma_wait3A_113 = arith.constant 0 : i32
      %dma_wait3A_114 = tpu.memref_slice %arg6[%dma_wait3A_112, %dma_wait3A_113] : memref<40x128xi32, #tpu.memory_space<vmem>> -> memref<1x128xi32, #tpu.memory_space<vmem>>
      %dma_wait3A_115 = tpu.memref_squeeze %dma_wait3A_114 : memref<1x128xi32, #tpu.memory_space<vmem>> -> memref<128xi32, #tpu.memory_space<vmem>>
      %dma_wait3A_116 = arith.constant 0 : i32
      %dma_wait3A_117 = arith.constant 0 : i32
      %dma_wait3A_118 = tpu.memref_slice %arg2[%dma_wait3A_116, %dma_wait3A_117] : memref<10000x128xf32, #tpu.memory_space<hbm>> -> memref<10000x128xf32, #tpu.memory_space<hbm>>
      tpu.wait_indirect_dma semaphore(%arg12 : memref<!tpu.dma_semaphore, #tpu.memory_space<semaphore_mem>>) src(%dma_wait3A_118 : memref<10000x128xf32, #tpu.memory_space<hbm>>) dst(%arg10 : memref<128x128xf32, #tpu.memory_space<vmem>>)
      %add3A_119 = arith.constant 1 : i32
      %add3A_120 = arith.addi %mul3A_96, %add3A_119 : i32
      "tpu.region"() ({
        %run_scoped3A_129 = tpu.sem_alloc : memref<!tpu.dma_semaphore, #tpu.memory_space<semaphore_mem>>
        %dma_start3A_130 = arith.constant 0 : i32
        %dma_start3A_131 = tpu.memref_slice %arg7[%add3A_120, %dma_start3A_130] : memref<40x128xi32, #tpu.memory_space<vmem>> -> memref<1x128xi32, #tpu.memory_space<vmem>>
        %dma_start3A_132 = tpu.memref_squeeze %dma_start3A_131 : memref<1x128xi32, #tpu.memory_space<vmem>> -> memref<128xi32, #tpu.memory_space<vmem>>
        %dma_start3A_133 = arith.constant 0 : i32
        %dma_start3A_134 = arith.constant 0 : i32
        %dma_start3A_135 = tpu.memref_slice %arg8[%dma_start3A_133, %dma_start3A_134] : memref<10240x128xf32, #tpu.memory_space<vmem_shared>> -> memref<10240x128xf32, #tpu.memory_space<vmem_shared>>
        tpu.enqueue_indirect_dma source(%arg10 : memref<128x128xf32, #tpu.memory_space<vmem>>) target(%dma_start3A_135 : memref<10240x128xf32, #tpu.memory_space<vmem_shared>>) offsets(%dma_start3A_132 : memref<128xi32, #tpu.memory_space<vmem>>) semaphore(%run_scoped3A_129 : memref<!tpu.dma_semaphore, #tpu.memory_space<semaphore_mem>>) {add = true}
        %dma_wait3A_136 = arith.constant 0 : i32
        %dma_wait3A_137 = tpu.memref_slice %arg7[%add3A_120, %dma_wait3A_136] : memref<40x128xi32, #tpu.memory_space<vmem>> -> memref<1x128xi32, #tpu.memory_space<vmem>>
        %dma_wait3A_138 = tpu.memref_squeeze %dma_wait3A_137 : memref<1x128xi32, #tpu.memory_space<vmem>> -> memref<128xi32, #tpu.memory_space<vmem>>
        %dma_wait3A_139 = arith.constant 0 : i32
        %dma_wait3A_140 = arith.constant 0 : i32
        %dma_wait3A_141 = tpu.memref_slice %arg8[%dma_wait3A_139, %dma_wait3A_140] : memref<10240x128xf32, #tpu.memory_space<vmem_shared>> -> memref<10240x128xf32, #tpu.memory_space<vmem_shared>>
        tpu.wait_indirect_dma semaphore(%run_scoped3A_129 : memref<!tpu.dma_semaphore, #tpu.memory_space<semaphore_mem>>) src(%arg10 : memref<128x128xf32, #tpu.memory_space<vmem>>) dst(%dma_wait3A_141 : memref<10240x128xf32, #tpu.memory_space<vmem_shared>>)
        tpu.yield
      }) : () -> ()
      %add3A_121 = arith.constant 3 : i32
      %add3A_122 = arith.addi %mul3A_96, %add3A_121 : i32
      %dma_start3A_123 = arith.constant 0 : i32
      %dma_start3A_124 = tpu.memref_slice %arg6[%add3A_122, %dma_start3A_123] : memref<40x128xi32, #tpu.memory_space<vmem>> -> memref<1x128xi32, #tpu.memory_space<vmem>>
      %dma_start3A_125 = tpu.memref_squeeze %dma_start3A_124 : memref<1x128xi32, #tpu.memory_space<vmem>> -> memref<128xi32, #tpu.memory_space<vmem>>
      %dma_start3A_126 = arith.constant 0 : i32
      %dma_start3A_127 = arith.constant 0 : i32
      %dma_start3A_128 = tpu.memref_slice %arg2[%dma_start3A_126, %dma_start3A_127] : memref<10000x128xf32, #tpu.memory_space<hbm>> -> memref<10000x128xf32, #tpu.memory_space<hbm>>
      tpu.enqueue_indirect_dma source(%dma_start3A_128 : memref<10000x128xf32, #tpu.memory_space<hbm>>) target(%arg10 : memref<128x128xf32, #tpu.memory_space<vmem>>) offsets(%dma_start3A_125 : memref<128xi32, #tpu.memory_space<vmem>>) semaphore(%arg12 : memref<!tpu.dma_semaphore, #tpu.memory_space<semaphore_mem>>)
    }
    %scan3A_76 = arith.constant 19 : i32
    %dma_wait3A_77 = arith.constant 0 : i32
    %dma_wait3A_78 = arith.constant 0 : i32
    %dma_wait3A_79 = tpu.memref_slice %arg6[%dma_wait3A_77, %dma_wait3A_78] : memref<40x128xi32, #tpu.memory_space<vmem>> -> memref<1x128xi32, #tpu.memory_space<vmem>>
    %dma_wait3A_80 = tpu.memref_squeeze %dma_wait3A_79 : memref<1x128xi32, #tpu.memory_space<vmem>> -> memref<128xi32, #tpu.memory_space<vmem>>
    %dma_wait3A_81 = arith.constant 0 : i32
    %dma_wait3A_82 = arith.constant 0 : i32
    %dma_wait3A_83 = tpu.memref_slice %arg2[%dma_wait3A_81, %dma_wait3A_82] : memref<10000x128xf32, #tpu.memory_space<hbm>> -> memref<10000x128xf32, #tpu.memory_space<hbm>>
    tpu.wait_indirect_dma semaphore(%arg11 : memref<!tpu.dma_semaphore, #tpu.memory_space<semaphore_mem>>) src(%dma_wait3A_83 : memref<10000x128xf32, #tpu.memory_space<hbm>>) dst(%arg9 : memref<128x128xf32, #tpu.memory_space<vmem>>)
    %run_scoped3A_84 = arith.constant 38 : i32
    "tpu.region"() ({
      %run_scoped3A_94 = tpu.sem_alloc : memref<!tpu.dma_semaphore, #tpu.memory_space<semaphore_mem>>
      %dma_start3A_95 = arith.constant 0 : i32
      %dma_start3A_96 = tpu.memref_slice %arg7[%run_scoped3A_84, %dma_start3A_95] : memref<40x128xi32, #tpu.memory_space<vmem>> -> memref<1x128xi32, #tpu.memory_space<vmem>>
      %dma_start3A_97 = tpu.memref_squeeze %dma_start3A_96 : memref<1x128xi32, #tpu.memory_space<vmem>> -> memref<128xi32, #tpu.memory_space<vmem>>
      %dma_start3A_98 = arith.constant 0 : i32
      %dma_start3A_99 = arith.constant 0 : i32
      %dma_start3A_100 = tpu.memref_slice %arg8[%dma_start3A_98, %dma_start3A_99] : memref<10240x128xf32, #tpu.memory_space<vmem_shared>> -> memref<10240x128xf32, #tpu.memory_space<vmem_shared>>
      tpu.enqueue_indirect_dma source(%arg9 : memref<128x128xf32, #tpu.memory_space<vmem>>) target(%dma_start3A_100 : memref<10240x128xf32, #tpu.memory_space<vmem_shared>>) offsets(%dma_start3A_97 : memref<128xi32, #tpu.memory_space<vmem>>) semaphore(%run_scoped3A_94 : memref<!tpu.dma_semaphore, #tpu.memory_space<semaphore_mem>>) {add = true}
      %dma_wait3A_101 = arith.constant 0 : i32
      %dma_wait3A_102 = tpu.memref_slice %arg7[%run_scoped3A_84, %dma_wait3A_101] : memref<40x128xi32, #tpu.memory_space<vmem>> -> memref<1x128xi32, #tpu.memory_space<vmem>>
      %dma_wait3A_103 = tpu.memref_squeeze %dma_wait3A_102 : memref<1x128xi32, #tpu.memory_space<vmem>> -> memref<128xi32, #tpu.memory_space<vmem>>
      %dma_wait3A_104 = arith.constant 0 : i32
      %dma_wait3A_105 = arith.constant 0 : i32
      %dma_wait3A_106 = tpu.memref_slice %arg8[%dma_wait3A_104, %dma_wait3A_105] : memref<10240x128xf32, #tpu.memory_space<vmem_shared>> -> memref<10240x128xf32, #tpu.memory_space<vmem_shared>>
      tpu.wait_indirect_dma semaphore(%run_scoped3A_94 : memref<!tpu.dma_semaphore, #tpu.memory_space<semaphore_mem>>) src(%arg9 : memref<128x128xf32, #tpu.memory_space<vmem>>) dst(%dma_wait3A_106 : memref<10240x128xf32, #tpu.memory_space<vmem_shared>>)
      tpu.yield
    }) : () -> ()
    %dma_wait3A_85 = arith.constant 1 : i32
    %dma_wait3A_86 = arith.constant 0 : i32
    %dma_wait3A_87 = tpu.memref_slice %arg6[%dma_wait3A_85, %dma_wait3A_86] : memref<40x128xi32, #tpu.memory_space<vmem>> -> memref<1x128xi32, #tpu.memory_space<vmem>>
    %dma_wait3A_88 = tpu.memref_squeeze %dma_wait3A_87 : memref<1x128xi32, #tpu.memory_space<vmem>> -> memref<128xi32, #tpu.memory_space<vmem>>
    %dma_wait3A_89 = arith.constant 0 : i32
    %dma_wait3A_90 = arith.constant 0 : i32
    %dma_wait3A_91 = tpu.memref_slice %arg2[%dma_wait3A_89, %dma_wait3A_90] : memref<10000x128xf32, #tpu.memory_space<hbm>> -> memref<10000x128xf32, #tpu.memory_space<hbm>>
    tpu.wait_indirect_dma semaphore(%arg12 : memref<!tpu.dma_semaphore, #tpu.memory_space<semaphore_mem>>) src(%dma_wait3A_91 : memref<10000x128xf32, #tpu.memory_space<hbm>>) dst(%arg10 : memref<128x128xf32, #tpu.memory_space<vmem>>)
    %run_scoped3A_92 = arith.constant 39 : i32
    "tpu.region"() ({
      %run_scoped3A_94 = tpu.sem_alloc : memref<!tpu.dma_semaphore, #tpu.memory_space<semaphore_mem>>
      %dma_start3A_95 = arith.constant 0 : i32
      %dma_start3A_96 = tpu.memref_slice %arg7[%run_scoped3A_92, %dma_start3A_95] : memref<40x128xi32, #tpu.memory_space<vmem>> -> memref<1x128xi32, #tpu.memory_space<vmem>>
      %dma_start3A_97 = tpu.memref_squeeze %dma_start3A_96 : memref<1x128xi32, #tpu.memory_space<vmem>> -> memref<128xi32, #tpu.memory_space<vmem>>
      %dma_start3A_98 = arith.constant 0 : i32
      %dma_start3A_99 = arith.constant 0 : i32
      %dma_start3A_100 = tpu.memref_slice %arg8[%dma_start3A_98, %dma_start3A_99] : memref<10240x128xf32, #tpu.memory_space<vmem_shared>> -> memref<10240x128xf32, #tpu.memory_space<vmem_shared>>
      tpu.enqueue_indirect_dma source(%arg10 : memref<128x128xf32, #tpu.memory_space<vmem>>) target(%dma_start3A_100 : memref<10240x128xf32, #tpu.memory_space<vmem_shared>>) offsets(%dma_start3A_97 : memref<128xi32, #tpu.memory_space<vmem>>) semaphore(%run_scoped3A_94 : memref<!tpu.dma_semaphore, #tpu.memory_space<semaphore_mem>>) {add = true}
      %dma_wait3A_101 = arith.constant 0 : i32
      %dma_wait3A_102 = tpu.memref_slice %arg7[%run_scoped3A_92, %dma_wait3A_101] : memref<40x128xi32, #tpu.memory_space<vmem>> -> memref<1x128xi32, #tpu.memory_space<vmem>>
      %dma_wait3A_103 = tpu.memref_squeeze %dma_wait3A_102 : memref<1x128xi32, #tpu.memory_space<vmem>> -> memref<128xi32, #tpu.memory_space<vmem>>
      %dma_wait3A_104 = arith.constant 0 : i32
      %dma_wait3A_105 = arith.constant 0 : i32
      %dma_wait3A_106 = tpu.memref_slice %arg8[%dma_wait3A_104, %dma_wait3A_105] : memref<10240x128xf32, #tpu.memory_space<vmem_shared>> -> memref<10240x128xf32, #tpu.memory_space<vmem_shared>>
      tpu.wait_indirect_dma semaphore(%run_scoped3A_94 : memref<!tpu.dma_semaphore, #tpu.memory_space<semaphore_mem>>) src(%arg10 : memref<128x128xf32, #tpu.memory_space<vmem>>) dst(%dma_wait3A_106 : memref<10240x128xf32, #tpu.memory_space<vmem_shared>>)
      tpu.yield
    }) : () -> ()
    %barrier3A_93 = arith.constant 0 : index
    tpu.barrier barrier_id(%barrier3A_93)
    "tpu.region"() ({
      %run_scoped3A_94 = tpu.sem_alloc : memref<!tpu.dma_semaphore, #tpu.memory_space<semaphore_mem>>
      %dma_start3A_95 = arith.constant 0 : i32
      %dma_start3A_96 = tpu.memref_slice %arg5[%arg0, %mul3A_7, %dma_start3A_95] : memref<2x10240x128xf32, #tpu.memory_space<hbm>> -> memref<1x640x128xf32, #tpu.memory_space<hbm>>
      %dma_start3A_97 = tpu.memref_squeeze %dma_start3A_96 : memref<1x640x128xf32, #tpu.memory_space<hbm>> -> memref<640x128xf32, #tpu.memory_space<hbm>>
      %dma_start3A_98 = arith.constant 0 : i32
      %dma_start3A_99 = tpu.memref_slice %arg8[%mul3A_7, %dma_start3A_98] : memref<10240x128xf32, #tpu.memory_space<vmem_shared>> -> memref<640x128xf32, #tpu.memory_space<vmem_shared>>
      tpu.enqueue_dma source(%dma_start3A_99 : memref<640x128xf32, #tpu.memory_space<vmem_shared>>) target(%dma_start3A_97 : memref<640x128xf32, #tpu.memory_space<hbm>>) target_semaphore(%run_scoped3A_94 : memref<!tpu.dma_semaphore, #tpu.memory_space<semaphore_mem>>)
      %dma_wait3A_100 = arith.constant 0 : i32
      %dma_wait3A_101 = tpu.memref_slice %arg5[%arg0, %mul3A_7, %dma_wait3A_100] : memref<2x10240x128xf32, #tpu.memory_space<hbm>> -> memref<1x640x128xf32, #tpu.memory_space<hbm>>
      %dma_wait3A_102 = tpu.memref_squeeze %dma_wait3A_101 : memref<1x640x128xf32, #tpu.memory_space<hbm>> -> memref<640x128xf32, #tpu.memory_space<hbm>>
      %dma_wait3A_103 = arith.constant 0 : i32
      %dma_wait3A_104 = tpu.memref_slice %arg8[%mul3A_7, %dma_wait3A_103] : memref<10240x128xf32, #tpu.memory_space<vmem_shared>> -> memref<640x128xf32, #tpu.memory_space<vmem_shared>>
      tpu.wait_dma2 semaphore(%run_scoped3A_94 : memref<!tpu.dma_semaphore, #tpu.memory_space<semaphore_mem>>) src(%dma_wait3A_104 : memref<640x128xf32, #tpu.memory_space<vmem_shared>>) dst(%dma_wait3A_102 : memref<640x128xf32, #tpu.memory_space<hbm>>)
      tpu.yield
    }) : () -> ()
    return
  }
}

#map = affine_map<(d0, d1) -> (0, 0)>
#map1 = affine_map<(d0, d1) -> (0)>
module attributes {stable_mosaic.version = 14 : i64} {
  func.func @k(%arg0: i32, %arg1: i32, %arg2: memref<10000x128xf32, #tpu.memory_space<hbm>>, %arg3: memref<10000xi32, #tpu.memory_space<hbm>>, %arg4: memref<10000x128xf32, #tpu.memory_space<hbm>>, %arg5: memref<80xi32, #tpu.memory_space<vmem>>, %arg6: memref<80xi32, #tpu.memory_space<vmem>>, %arg7: memref<80x128xf32, #tpu.memory_space<vmem>>, %arg8: memref<80x128xf32, #tpu.memory_space<vmem>>, %arg9: memref<!tpu.dma_semaphore, #tpu.memory_space<semaphore_mem>>, %arg10: memref<!tpu.dma_semaphore, #tpu.memory_space<semaphore_mem>>) attributes {dimension_semantics = [#tpu.dimension_semantics<core_parallel>, #tpu.dimension_semantics<subcore_parallel>], iteration_bounds = array<i64: 2, 16>, scalar_prefetch = 0 : i64, scratch_operands = 6 : i64, tpu.core_type = #tpu.core_type<sc_vector_subcore>, window_params = [{transform_indices = #map}, {transform_indices = #map1}, {transform_indices = #map}]} {
    %mul3A = arith.constant 2 : i32
    %mul3A_0 = arith.muli %arg1, %mul3A : i32
    %add3A = arith.addi %mul3A_0, %arg0 : i32
    %mul3A_1 = arith.constant 4 : i32
    %mul3A_2 = arith.muli %add3A, %mul3A_1 : i32
    %mul3A_3 = arith.constant 80 : i32
    %mul3A_4 = arith.muli %mul3A_2, %mul3A_3 : i32
    "tpu.region"() ({
      %run_scoped3A = tpu.sem_alloc : memref<!tpu.dma_semaphore, #tpu.memory_space<semaphore_mem>>
      %dma_start3A_16 = tpu.memref_slice %arg3[%mul3A_4] : memref<10000xi32, #tpu.memory_space<hbm>> -> memref<80xi32, #tpu.memory_space<hbm>>
      %dma_start3A_17 = tpu.memref_slice %arg3[%mul3A_4] : memref<10000xi32, #tpu.memory_space<hbm>> -> memref<80xi32, #tpu.memory_space<hbm>>
      tpu.enqueue_dma source(%dma_start3A_17 : memref<80xi32, #tpu.memory_space<hbm>>) target(%arg5 : memref<80xi32, #tpu.memory_space<vmem>>) target_semaphore(%run_scoped3A : memref<!tpu.dma_semaphore, #tpu.memory_space<semaphore_mem>>)
      %dma_wait3A_18 = tpu.memref_slice %arg3[%mul3A_4] : memref<10000xi32, #tpu.memory_space<hbm>> -> memref<80xi32, #tpu.memory_space<hbm>>
      %dma_wait3A_19 = tpu.memref_slice %arg3[%mul3A_4] : memref<10000xi32, #tpu.memory_space<hbm>> -> memref<80xi32, #tpu.memory_space<hbm>>
      tpu.wait_dma2 semaphore(%run_scoped3A : memref<!tpu.dma_semaphore, #tpu.memory_space<semaphore_mem>>) src(%dma_wait3A_19 : memref<80xi32, #tpu.memory_space<hbm>>) dst(%arg5 : memref<80xi32, #tpu.memory_space<vmem>>)
      tpu.yield
    }) : () -> ()
    %dma_start3A = arith.constant 0 : i32
    %dma_start3A_5 = arith.constant 0 : i32
    %dma_start3A_6 = tpu.memref_slice %arg2[%dma_start3A, %dma_start3A_5] : memref<10000x128xf32, #tpu.memory_space<hbm>> -> memref<10000x128xf32, #tpu.memory_space<hbm>>
    tpu.enqueue_indirect_dma source(%dma_start3A_6 : memref<10000x128xf32, #tpu.memory_space<hbm>>) target(%arg7 : memref<80x128xf32, #tpu.memory_space<vmem>>) offsets(%arg5 : memref<80xi32, #tpu.memory_space<vmem>>) semaphore(%arg9 : memref<!tpu.dma_semaphore, #tpu.memory_space<semaphore_mem>>)
    %lt3A = arith.constant 31 : i32
    %lt3A_7 = arith.cmpi slt, %add3A, %lt3A : i32
    %convert_element_type3A = arith.extui %lt3A_7 : i1 to i32
    %cond3A = arith.constant 0 : i32
    %cond3A_8 = arith.cmpi ne, %convert_element_type3A, %cond3A : i32
    scf.if %cond3A_8 {
      %add3A_16 = arith.constant 80 : i32
      %add3A_17 = arith.addi %mul3A_4, %add3A_16 : i32
      "tpu.region"() ({
        %run_scoped3A = tpu.sem_alloc : memref<!tpu.dma_semaphore, #tpu.memory_space<semaphore_mem>>
        %dma_start3A_21 = tpu.memref_slice %arg3[%add3A_17] : memref<10000xi32, #tpu.memory_space<hbm>> -> memref<80xi32, #tpu.memory_space<hbm>>
        %dma_start3A_22 = tpu.memref_slice %arg3[%add3A_17] : memref<10000xi32, #tpu.memory_space<hbm>> -> memref<80xi32, #tpu.memory_space<hbm>>
        tpu.enqueue_dma source(%dma_start3A_22 : memref<80xi32, #tpu.memory_space<hbm>>) target(%arg6 : memref<80xi32, #tpu.memory_space<vmem>>) target_semaphore(%run_scoped3A : memref<!tpu.dma_semaphore, #tpu.memory_space<semaphore_mem>>)
        %dma_wait3A_23 = tpu.memref_slice %arg3[%add3A_17] : memref<10000xi32, #tpu.memory_space<hbm>> -> memref<80xi32, #tpu.memory_space<hbm>>
        %dma_wait3A_24 = tpu.memref_slice %arg3[%add3A_17] : memref<10000xi32, #tpu.memory_space<hbm>> -> memref<80xi32, #tpu.memory_space<hbm>>
        tpu.wait_dma2 semaphore(%run_scoped3A : memref<!tpu.dma_semaphore, #tpu.memory_space<semaphore_mem>>) src(%dma_wait3A_24 : memref<80xi32, #tpu.memory_space<hbm>>) dst(%arg6 : memref<80xi32, #tpu.memory_space<vmem>>)
        tpu.yield
      }) : () -> ()
      %dma_start3A_18 = arith.constant 0 : i32
      %dma_start3A_19 = arith.constant 0 : i32
      %dma_start3A_20 = tpu.memref_slice %arg2[%dma_start3A_18, %dma_start3A_19] : memref<10000x128xf32, #tpu.memory_space<hbm>> -> memref<10000x128xf32, #tpu.memory_space<hbm>>
      tpu.enqueue_indirect_dma source(%dma_start3A_20 : memref<10000x128xf32, #tpu.memory_space<hbm>>) target(%arg8 : memref<80x128xf32, #tpu.memory_space<vmem>>) offsets(%arg6 : memref<80xi32, #tpu.memory_space<vmem>>) semaphore(%arg10 : memref<!tpu.dma_semaphore, #tpu.memory_space<semaphore_mem>>)
    } else {
    }
    %dma_wait3A = arith.constant 0 : i32
    %dma_wait3A_9 = arith.constant 0 : i32
    %dma_wait3A_10 = tpu.memref_slice %arg2[%dma_wait3A, %dma_wait3A_9] : memref<10000x128xf32, #tpu.memory_space<hbm>> -> memref<10000x128xf32, #tpu.memory_space<hbm>>
    tpu.wait_indirect_dma semaphore(%arg9 : memref<!tpu.dma_semaphore, #tpu.memory_space<semaphore_mem>>) src(%dma_wait3A_10 : memref<10000x128xf32, #tpu.memory_space<hbm>>) dst(%arg7 : memref<80x128xf32, #tpu.memory_space<vmem>>)
    "tpu.region"() ({
      %run_scoped3A = tpu.sem_alloc : memref<!tpu.dma_semaphore, #tpu.memory_space<semaphore_mem>>
      %dma_start3A_16 = arith.constant 0 : i32
      %dma_start3A_17 = tpu.memref_slice %arg4[%mul3A_4, %dma_start3A_16] : memref<10000x128xf32, #tpu.memory_space<hbm>> -> memref<80x128xf32, #tpu.memory_space<hbm>>
      %dma_start3A_18 = arith.constant 0 : i32
      %dma_start3A_19 = tpu.memref_slice %arg4[%mul3A_4, %dma_start3A_18] : memref<10000x128xf32, #tpu.memory_space<hbm>> -> memref<80x128xf32, #tpu.memory_space<hbm>>
      tpu.enqueue_dma source(%arg7 : memref<80x128xf32, #tpu.memory_space<vmem>>) target(%dma_start3A_19 : memref<80x128xf32, #tpu.memory_space<hbm>>) target_semaphore(%run_scoped3A : memref<!tpu.dma_semaphore, #tpu.memory_space<semaphore_mem>>)
      %dma_wait3A_20 = arith.constant 0 : i32
      %dma_wait3A_21 = tpu.memref_slice %arg4[%mul3A_4, %dma_wait3A_20] : memref<10000x128xf32, #tpu.memory_space<hbm>> -> memref<80x128xf32, #tpu.memory_space<hbm>>
      %dma_wait3A_22 = arith.constant 0 : i32
      %dma_wait3A_23 = tpu.memref_slice %arg4[%mul3A_4, %dma_wait3A_22] : memref<10000x128xf32, #tpu.memory_space<hbm>> -> memref<80x128xf32, #tpu.memory_space<hbm>>
      tpu.wait_dma2 semaphore(%run_scoped3A : memref<!tpu.dma_semaphore, #tpu.memory_space<semaphore_mem>>) src(%arg7 : memref<80x128xf32, #tpu.memory_space<vmem>>) dst(%dma_wait3A_23 : memref<80x128xf32, #tpu.memory_space<hbm>>)
      tpu.yield
    }) : () -> ()
    %lt3A_11 = arith.constant 31 : i32
    %lt3A_12 = arith.cmpi slt, %add3A, %lt3A_11 : i32
    %convert_element_type3A_13 = arith.extui %lt3A_12 : i1 to i32
    %cond3A_14 = arith.constant 0 : i32
    %cond3A_15 = arith.cmpi ne, %convert_element_type3A_13, %cond3A_14 : i32
    scf.if %cond3A_15 {
      %add3A_16 = arith.constant 160 : i32
      %add3A_17 = arith.addi %mul3A_4, %add3A_16 : i32
      "tpu.region"() ({
        %run_scoped3A = tpu.sem_alloc : memref<!tpu.dma_semaphore, #tpu.memory_space<semaphore_mem>>
        %dma_start3A_41 = tpu.memref_slice %arg3[%add3A_17] : memref<10000xi32, #tpu.memory_space<hbm>> -> memref<80xi32, #tpu.memory_space<hbm>>
        %dma_start3A_42 = tpu.memref_slice %arg3[%add3A_17] : memref<10000xi32, #tpu.memory_space<hbm>> -> memref<80xi32, #tpu.memory_space<hbm>>
        tpu.enqueue_dma source(%dma_start3A_42 : memref<80xi32, #tpu.memory_space<hbm>>) target(%arg5 : memref<80xi32, #tpu.memory_space<vmem>>) target_semaphore(%run_scoped3A : memref<!tpu.dma_semaphore, #tpu.memory_space<semaphore_mem>>)
        %dma_wait3A_43 = tpu.memref_slice %arg3[%add3A_17] : memref<10000xi32, #tpu.memory_space<hbm>> -> memref<80xi32, #tpu.memory_space<hbm>>
        %dma_wait3A_44 = tpu.memref_slice %arg3[%add3A_17] : memref<10000xi32, #tpu.memory_space<hbm>> -> memref<80xi32, #tpu.memory_space<hbm>>
        tpu.wait_dma2 semaphore(%run_scoped3A : memref<!tpu.dma_semaphore, #tpu.memory_space<semaphore_mem>>) src(%dma_wait3A_44 : memref<80xi32, #tpu.memory_space<hbm>>) dst(%arg5 : memref<80xi32, #tpu.memory_space<vmem>>)
        tpu.yield
      }) : () -> ()
      %dma_start3A_18 = arith.constant 0 : i32
      %dma_start3A_19 = arith.constant 0 : i32
      %dma_start3A_20 = tpu.memref_slice %arg2[%dma_start3A_18, %dma_start3A_19] : memref<10000x128xf32, #tpu.memory_space<hbm>> -> memref<10000x128xf32, #tpu.memory_space<hbm>>
      tpu.enqueue_indirect_dma source(%dma_start3A_20 : memref<10000x128xf32, #tpu.memory_space<hbm>>) target(%arg7 : memref<80x128xf32, #tpu.memory_space<vmem>>) offsets(%arg5 : memref<80xi32, #tpu.memory_space<vmem>>) semaphore(%arg9 : memref<!tpu.dma_semaphore, #tpu.memory_space<semaphore_mem>>)
      %dma_wait3A_21 = arith.constant 0 : i32
      %dma_wait3A_22 = arith.constant 0 : i32
      %dma_wait3A_23 = tpu.memref_slice %arg2[%dma_wait3A_21, %dma_wait3A_22] : memref<10000x128xf32, #tpu.memory_space<hbm>> -> memref<10000x128xf32, #tpu.memory_space<hbm>>
      tpu.wait_indirect_dma semaphore(%arg10 : memref<!tpu.dma_semaphore, #tpu.memory_space<semaphore_mem>>) src(%dma_wait3A_23 : memref<10000x128xf32, #tpu.memory_space<hbm>>) dst(%arg8 : memref<80x128xf32, #tpu.memory_space<vmem>>)
      %add3A_24 = arith.constant 80 : i32
      %add3A_25 = arith.addi %mul3A_4, %add3A_24 : i32
      "tpu.region"() ({
        %run_scoped3A = tpu.sem_alloc : memref<!tpu.dma_semaphore, #tpu.memory_space<semaphore_mem>>
        %dma_start3A_41 = arith.constant 0 : i32
        %dma_start3A_42 = tpu.memref_slice %arg4[%add3A_25, %dma_start3A_41] : memref<10000x128xf32, #tpu.memory_space<hbm>> -> memref<80x128xf32, #tpu.memory_space<hbm>>
        %dma_start3A_43 = arith.constant 0 : i32
        %dma_start3A_44 = tpu.memref_slice %arg4[%add3A_25, %dma_start3A_43] : memref<10000x128xf32, #tpu.memory_space<hbm>> -> memref<80x128xf32, #tpu.memory_space<hbm>>
        tpu.enqueue_dma source(%arg8 : memref<80x128xf32, #tpu.memory_space<vmem>>) target(%dma_start3A_44 : memref<80x128xf32, #tpu.memory_space<hbm>>) target_semaphore(%run_scoped3A : memref<!tpu.dma_semaphore, #tpu.memory_space<semaphore_mem>>)
        %dma_wait3A_45 = arith.constant 0 : i32
        %dma_wait3A_46 = tpu.memref_slice %arg4[%add3A_25, %dma_wait3A_45] : memref<10000x128xf32, #tpu.memory_space<hbm>> -> memref<80x128xf32, #tpu.memory_space<hbm>>
        %dma_wait3A_47 = arith.constant 0 : i32
        %dma_wait3A_48 = tpu.memref_slice %arg4[%add3A_25, %dma_wait3A_47] : memref<10000x128xf32, #tpu.memory_space<hbm>> -> memref<80x128xf32, #tpu.memory_space<hbm>>
        tpu.wait_dma2 semaphore(%run_scoped3A : memref<!tpu.dma_semaphore, #tpu.memory_space<semaphore_mem>>) src(%arg8 : memref<80x128xf32, #tpu.memory_space<vmem>>) dst(%dma_wait3A_48 : memref<80x128xf32, #tpu.memory_space<hbm>>)
        tpu.yield
      }) : () -> ()
      %add3A_26 = arith.constant 240 : i32
      %add3A_27 = arith.addi %mul3A_4, %add3A_26 : i32
      "tpu.region"() ({
        %run_scoped3A = tpu.sem_alloc : memref<!tpu.dma_semaphore, #tpu.memory_space<semaphore_mem>>
        %dma_start3A_41 = tpu.memref_slice %arg3[%add3A_27] : memref<10000xi32, #tpu.memory_space<hbm>> -> memref<80xi32, #tpu.memory_space<hbm>>
        %dma_start3A_42 = tpu.memref_slice %arg3[%add3A_27] : memref<10000xi32, #tpu.memory_space<hbm>> -> memref<80xi32, #tpu.memory_space<hbm>>
        tpu.enqueue_dma source(%dma_start3A_42 : memref<80xi32, #tpu.memory_space<hbm>>) target(%arg6 : memref<80xi32, #tpu.memory_space<vmem>>) target_semaphore(%run_scoped3A : memref<!tpu.dma_semaphore, #tpu.memory_space<semaphore_mem>>)
        %dma_wait3A_43 = tpu.memref_slice %arg3[%add3A_27] : memref<10000xi32, #tpu.memory_space<hbm>> -> memref<80xi32, #tpu.memory_space<hbm>>
        %dma_wait3A_44 = tpu.memref_slice %arg3[%add3A_27] : memref<10000xi32, #tpu.memory_space<hbm>> -> memref<80xi32, #tpu.memory_space<hbm>>
        tpu.wait_dma2 semaphore(%run_scoped3A : memref<!tpu.dma_semaphore, #tpu.memory_space<semaphore_mem>>) src(%dma_wait3A_44 : memref<80xi32, #tpu.memory_space<hbm>>) dst(%arg6 : memref<80xi32, #tpu.memory_space<vmem>>)
        tpu.yield
      }) : () -> ()
      %dma_start3A_28 = arith.constant 0 : i32
      %dma_start3A_29 = arith.constant 0 : i32
      %dma_start3A_30 = tpu.memref_slice %arg2[%dma_start3A_28, %dma_start3A_29] : memref<10000x128xf32, #tpu.memory_space<hbm>> -> memref<10000x128xf32, #tpu.memory_space<hbm>>
      tpu.enqueue_indirect_dma source(%dma_start3A_30 : memref<10000x128xf32, #tpu.memory_space<hbm>>) target(%arg8 : memref<80x128xf32, #tpu.memory_space<vmem>>) offsets(%arg6 : memref<80xi32, #tpu.memory_space<vmem>>) semaphore(%arg10 : memref<!tpu.dma_semaphore, #tpu.memory_space<semaphore_mem>>)
      %dma_wait3A_31 = arith.constant 0 : i32
      %dma_wait3A_32 = arith.constant 0 : i32
      %dma_wait3A_33 = tpu.memref_slice %arg2[%dma_wait3A_31, %dma_wait3A_32] : memref<10000x128xf32, #tpu.memory_space<hbm>> -> memref<10000x128xf32, #tpu.memory_space<hbm>>
      tpu.wait_indirect_dma semaphore(%arg9 : memref<!tpu.dma_semaphore, #tpu.memory_space<semaphore_mem>>) src(%dma_wait3A_33 : memref<10000x128xf32, #tpu.memory_space<hbm>>) dst(%arg7 : memref<80x128xf32, #tpu.memory_space<vmem>>)
      %add3A_34 = arith.constant 160 : i32
      %add3A_35 = arith.addi %mul3A_4, %add3A_34 : i32
      "tpu.region"() ({
        %run_scoped3A = tpu.sem_alloc : memref<!tpu.dma_semaphore, #tpu.memory_space<semaphore_mem>>
        %dma_start3A_41 = arith.constant 0 : i32
        %dma_start3A_42 = tpu.memref_slice %arg4[%add3A_35, %dma_start3A_41] : memref<10000x128xf32, #tpu.memory_space<hbm>> -> memref<80x128xf32, #tpu.memory_space<hbm>>
        %dma_start3A_43 = arith.constant 0 : i32
        %dma_start3A_44 = tpu.memref_slice %arg4[%add3A_35, %dma_start3A_43] : memref<10000x128xf32, #tpu.memory_space<hbm>> -> memref<80x128xf32, #tpu.memory_space<hbm>>
        tpu.enqueue_dma source(%arg7 : memref<80x128xf32, #tpu.memory_space<vmem>>) target(%dma_start3A_44 : memref<80x128xf32, #tpu.memory_space<hbm>>) target_semaphore(%run_scoped3A : memref<!tpu.dma_semaphore, #tpu.memory_space<semaphore_mem>>)
        %dma_wait3A_45 = arith.constant 0 : i32
        %dma_wait3A_46 = tpu.memref_slice %arg4[%add3A_35, %dma_wait3A_45] : memref<10000x128xf32, #tpu.memory_space<hbm>> -> memref<80x128xf32, #tpu.memory_space<hbm>>
        %dma_wait3A_47 = arith.constant 0 : i32
        %dma_wait3A_48 = tpu.memref_slice %arg4[%add3A_35, %dma_wait3A_47] : memref<10000x128xf32, #tpu.memory_space<hbm>> -> memref<80x128xf32, #tpu.memory_space<hbm>>
        tpu.wait_dma2 semaphore(%run_scoped3A : memref<!tpu.dma_semaphore, #tpu.memory_space<semaphore_mem>>) src(%arg7 : memref<80x128xf32, #tpu.memory_space<vmem>>) dst(%dma_wait3A_48 : memref<80x128xf32, #tpu.memory_space<hbm>>)
        tpu.yield
      }) : () -> ()
      %dma_wait3A_36 = arith.constant 0 : i32
      %dma_wait3A_37 = arith.constant 0 : i32
      %dma_wait3A_38 = tpu.memref_slice %arg2[%dma_wait3A_36, %dma_wait3A_37] : memref<10000x128xf32, #tpu.memory_space<hbm>> -> memref<10000x128xf32, #tpu.memory_space<hbm>>
      tpu.wait_indirect_dma semaphore(%arg10 : memref<!tpu.dma_semaphore, #tpu.memory_space<semaphore_mem>>) src(%dma_wait3A_38 : memref<10000x128xf32, #tpu.memory_space<hbm>>) dst(%arg8 : memref<80x128xf32, #tpu.memory_space<vmem>>)
      %add3A_39 = arith.constant 240 : i32
      %add3A_40 = arith.addi %mul3A_4, %add3A_39 : i32
      "tpu.region"() ({
        %run_scoped3A = tpu.sem_alloc : memref<!tpu.dma_semaphore, #tpu.memory_space<semaphore_mem>>
        %dma_start3A_41 = arith.constant 0 : i32
        %dma_start3A_42 = tpu.memref_slice %arg4[%add3A_40, %dma_start3A_41] : memref<10000x128xf32, #tpu.memory_space<hbm>> -> memref<80x128xf32, #tpu.memory_space<hbm>>
        %dma_start3A_43 = arith.constant 0 : i32
        %dma_start3A_44 = tpu.memref_slice %arg4[%add3A_40, %dma_start3A_43] : memref<10000x128xf32, #tpu.memory_space<hbm>> -> memref<80x128xf32, #tpu.memory_space<hbm>>
        tpu.enqueue_dma source(%arg8 : memref<80x128xf32, #tpu.memory_space<vmem>>) target(%dma_start3A_44 : memref<80x128xf32, #tpu.memory_space<hbm>>) target_semaphore(%run_scoped3A : memref<!tpu.dma_semaphore, #tpu.memory_space<semaphore_mem>>)
        %dma_wait3A_45 = arith.constant 0 : i32
        %dma_wait3A_46 = tpu.memref_slice %arg4[%add3A_40, %dma_wait3A_45] : memref<10000x128xf32, #tpu.memory_space<hbm>> -> memref<80x128xf32, #tpu.memory_space<hbm>>
        %dma_wait3A_47 = arith.constant 0 : i32
        %dma_wait3A_48 = tpu.memref_slice %arg4[%add3A_40, %dma_wait3A_47] : memref<10000x128xf32, #tpu.memory_space<hbm>> -> memref<80x128xf32, #tpu.memory_space<hbm>>
        tpu.wait_dma2 semaphore(%run_scoped3A : memref<!tpu.dma_semaphore, #tpu.memory_space<semaphore_mem>>) src(%arg8 : memref<80x128xf32, #tpu.memory_space<vmem>>) dst(%dma_wait3A_48 : memref<80x128xf32, #tpu.memory_space<hbm>>)
        tpu.yield
      }) : () -> ()
    } else {
    }
    return
  }
}

module attributes {stable_mosaic.version = 14 : i64} {
  func.func @body(%arg0: i32, %arg1: memref<1000x128xf32, #tpu.memory_space<vmem>>, %arg2: memref<2x1000x128xf32, #tpu.memory_space<vmem>>, %arg3: memref<128x256xf32, #tpu.memory_space<vmem>>, %arg4: memref<1x128xf32, #tpu.memory_space<vmem>>, %arg5: memref<1x128xf32, #tpu.memory_space<vmem>>, %arg6: memref<1x128xf32, #tpu.memory_space<vmem>>, %arg7: memref<1000x128xf32, #tpu.memory_space<vmem>>) attributes {dimension_semantics = [#tpu.dimension_semantics<arbitrary>], iteration_bounds = array<i64: 10>, scalar_prefetch = 0 : i64, scratch_operands = 0 : i64, tpu.core_type = #tpu.core_type<tc>, window_params = [{transform_indices = @transform_0, window_bounds = array<i64: 1000, 128>}, {transform_indices = @transform_1, window_bounds = array<i64: 2, 1000, 128>}, {pipeline_mode = #tpu.pipeline_mode<synchronous>, transform_indices = @transform_2, window_bounds = array<i64: 128, 256>}, {pipeline_mode = #tpu.pipeline_mode<synchronous>, transform_indices = @transform_3, window_bounds = array<i64: 1, 128>}, {pipeline_mode = #tpu.pipeline_mode<synchronous>, transform_indices = @transform_4, window_bounds = array<i64: 1, 128>}, {pipeline_mode = #tpu.pipeline_mode<synchronous>, transform_indices = @transform_5, window_bounds = array<i64: 1, 128>}, {transform_indices = @transform_6, window_bounds = array<i64: 1000, 128>}]} {
    %get3A = arith.constant 0 : index
    %get3A_0 = arith.constant 0 : index
    %get3A_1 = vector.load %arg1[%get3A, %get3A_0] : memref<1000x128xf32, #tpu.memory_space<vmem>>, vector<1000x128xf32>
    %get3A_2 = arith.constant 0 : index
    %get3A_3 = arith.constant 0 : index
    %get3A_4 = arith.constant 0 : index
    %get3A_5 = vector.load %arg2[%get3A_2, %get3A_3, %get3A_4] : memref<2x1000x128xf32, #tpu.memory_space<vmem>>, vector<1x1000x128xf32>
    %get3A_6 = vector.shape_cast %get3A_5 : vector<1x1000x128xf32> to vector<1000x128xf32>
    %get3A_7 = arith.constant 1 : index
    %get3A_8 = arith.constant 0 : index
    %get3A_9 = arith.constant 0 : index
    %get3A_10 = vector.load %arg2[%get3A_7, %get3A_8, %get3A_9] : memref<2x1000x128xf32, #tpu.memory_space<vmem>>, vector<1x1000x128xf32>
    %get3A_11 = vector.shape_cast %get3A_10 : vector<1x1000x128xf32> to vector<1000x128xf32>
    %add3A = arith.addf %get3A_6, %get3A_11 : vector<1000x128xf32>
    %get3A_12 = arith.constant 0 : index
    %get3A_13 = arith.constant 0 : index
    %get3A_14 = vector.load %arg3[%get3A_12, %get3A_13] : memref<128x256xf32, #tpu.memory_space<vmem>>, vector<128x256xf32>
    %slice3A = vector.extract_strided_slice %get3A_14 {offsets = [0, 0], sizes = [128, 128], strides = [1, 1]} : vector<128x256xf32> to vector<128x128xf32>
    %dot_general3A = arith.constant dense<0.000000e+00> : vector<1000x128xf32>
    %dot_general3A_15 = tpu.matmul %get3A_1, %slice3A, %dot_general3A {dimension_numbers = #tpu.dot_dimension_numbers<[1], [1], [0], [0], [0, 0, 1, 0], [], []>, transpose_lhs_hint = false} : vector<1000x128xf32>, vector<128x128xf32>, vector<1000x128xf32> -> vector<1000x128xf32>
    %slice3A_16 = vector.extract_strided_slice %get3A_14 {offsets = [0, 128], sizes = [128, 128], strides = [1, 1]} : vector<128x256xf32> to vector<128x128xf32>
    %dot_general3A_17 = arith.constant dense<0.000000e+00> : vector<1000x128xf32>
    %dot_general3A_18 = tpu.matmul %add3A, %slice3A_16, %dot_general3A_17 {dimension_numbers = #tpu.dot_dimension_numbers<[1], [1], [0], [0], [0, 0, 1, 0], [], []>, transpose_lhs_hint = false} : vector<1000x128xf32>, vector<128x128xf32>, vector<1000x128xf32> -> vector<1000x128xf32>
    %add3A_19 = arith.addf %dot_general3A_15, %dot_general3A_18 : vector<1000x128xf32>
    %get3A_20 = arith.constant 0 : index
    %get3A_21 = arith.constant 0 : index
    %get3A_22 = vector.load %arg4[%get3A_20, %get3A_21] : memref<1x128xf32, #tpu.memory_space<vmem>>, vector<1x128xf32>
    %add3A_23 = vector.broadcast %get3A_22 : vector<1x128xf32> to vector<1000x128xf32>
    %add3A_24 = arith.addf %add3A_19, %add3A_23 : vector<1000x128xf32>
    %max3A = arith.constant 0.000000e+00 : f32
    %max3A_25 = vector.broadcast %max3A : f32 to vector<1000x128xf32>
    %max3A_26 = arith.maximumf %add3A_24, %max3A_25 : vector<1000x128xf32>
    %get3A_27 = arith.constant 0 : index
    %get3A_28 = arith.constant 0 : index
    %get3A_29 = vector.load %arg5[%get3A_27, %get3A_28] : memref<1x128xf32, #tpu.memory_space<vmem>>, vector<1x128xf32>
    %mul3A = arith.constant 0.999994993 : f32
    %mul3A_30 = vector.broadcast %mul3A : f32 to vector<1x128xf32>
    %mul3A_31 = arith.mulf %get3A_29, %mul3A_30 : vector<1x128xf32>
    %mul3A_32 = vector.broadcast %mul3A_31 : vector<1x128xf32> to vector<1000x128xf32>
    %mul3A_33 = arith.mulf %max3A_26, %mul3A_32 : vector<1000x128xf32>
    %get3A_34 = arith.constant 0 : index
    %get3A_35 = arith.constant 0 : index
    %get3A_36 = vector.load %arg6[%get3A_34, %get3A_35] : memref<1x128xf32, #tpu.memory_space<vmem>>, vector<1x128xf32>
    %add3A_37 = vector.broadcast %get3A_36 : vector<1x128xf32> to vector<1000x128xf32>
    %add3A_38 = arith.addf %mul3A_33, %add3A_37 : vector<1000x128xf32>
    %mul3A_39 = arith.mulf %add3A_38, %add3A_38 : vector<1000x128xf32>
    %reduce_sum3A = arith.constant dense<0.000000e+00> : vector<1000xf32>
    %reduce_sum3A_40 = vector.multi_reduction <add>, %mul3A_39, %reduce_sum3A [1] : vector<1000x128xf32> to vector<1000xf32>
    %broadcast_in_dim3A = vector.shape_cast %reduce_sum3A_40 : vector<1000xf32> to vector<1000x1xf32>
    %sqrt3A = math.sqrt %broadcast_in_dim3A : vector<1000x1xf32>
    %add3A_41 = arith.constant 9.99999997E-7 : f32
    %add3A_42 = vector.broadcast %add3A_41 : f32 to vector<1000x1xf32>
    %add3A_43 = arith.addf %sqrt3A, %add3A_42 : vector<1000x1xf32>
    %div3A = vector.broadcast %add3A_43 : vector<1000x1xf32> to vector<1000x128xf32>
    %div3A_44 = arith.divf %add3A_38, %div3A : vector<1000x128xf32>
    %swap3A = arith.constant 0 : index
    %swap3A_45 = arith.constant 0 : index
    %swap3A_46 = vector.load %arg7[%swap3A, %swap3A_45] : memref<1000x128xf32, #tpu.memory_space<vmem>>, vector<1000x128xf32>
    tpu.vector_store %arg7[%swap3A, %swap3A_45], %div3A_44 {strides = array<i32>} : memref<1000x128xf32, #tpu.memory_space<vmem>>, vector<1000x128xf32>,
    return
  }
  func.func @transform_0(%arg0: i32) -> (i32, i32) {
    %c0_i32 = arith.constant 0 : i32
    %c0_i32_0 = arith.constant 0 : i32
    return %arg0, %c0_i32 : i32, i32
  }
  func.func @transform_1(%arg0: i32) -> (i32, i32, i32) {
    %c0_i32 = arith.constant 0 : i32
    %c0_i32_0 = arith.constant 0 : i32
    %c0_i32_1 = arith.constant 0 : i32
    return %c0_i32, %arg0, %c0_i32_0 : i32, i32, i32
  }
  func.func @transform_2(%arg0: i32) -> (i32, i32) {
    %c0_i32 = arith.constant 0 : i32
    %c0_i32_0 = arith.constant 0 : i32
    %c0_i32_1 = arith.constant 0 : i32
    return %c0_i32, %c0_i32_0 : i32, i32
  }
  func.func @transform_3(%arg0: i32) -> (i32, i32) {
    %c0_i32 = arith.constant 0 : i32
    %c0_i32_0 = arith.constant 0 : i32
    %c0_i32_1 = arith.constant 0 : i32
    return %c0_i32, %c0_i32_0 : i32, i32
  }
  func.func @transform_4(%arg0: i32) -> (i32, i32) {
    %c0_i32 = arith.constant 0 : i32
    %c0_i32_0 = arith.constant 0 : i32
    %c0_i32_1 = arith.constant 0 : i32
    return %c0_i32, %c0_i32_0 : i32, i32
  }
  func.func @transform_5(%arg0: i32) -> (i32, i32) {
    %c0_i32 = arith.constant 0 : i32
    %c0_i32_0 = arith.constant 0 : i32
    %c0_i32_1 = arith.constant 0 : i32
    return %c0_i32, %c0_i32_0 : i32, i32
  }
  func.func @transform_6(%arg0: i32) -> (i32, i32) {
    %c0_i32 = arith.constant 0 : i32
    %c0_i32_0 = arith.constant 0 : i32
    return %arg0, %c0_i32 : i32, i32
  }
}

</mosaic_0001>

<sc_bundles>
// kernel: kernel.5.cloned.1.call-start
scs
__scs_entry_jumppad:
0x0: {  	(pc) =	sbr.rel $0x88, $3  }
0x1: {  	(tag) =	ssettag $0x0;
	lr =	simm.s32 $0x1  }
0x2: {  	[smem:$0x3F9A] =	sst lr;
	_ =	strace $0xD0000000  }
0x3: {  	_ = 	snop  }
0x4: {  	_ = 	snop  }
0x5: {  	_ = 	snop  }
0x6: {  	_ = 	snop  }
0x7: {  	_ = 	snop  }
__scs_overlays_trampoline_lowered:
0x8: {  	[smem:$0x3FA9] =	sst s0  }
0x9: {  	[smem:$0x3FAA] =	sst s1  }
0xa: {  	[smem:$0x3FAB] =	sst s2  }
0xb: {  	[smem:$0x3FAC] =	sst s3  }
0xc: {  	[smem:$0x3FAD] =	sst s4  }
0xd: {  	[smem:$0x3FAE] =	sst s5  }
0xe: {  	[smem:$0x3FAF] =	sst s6  }
0xf: {  	[smem:$0x3FB0] =	sst s7  }
0x10: {  	[smem:$0x3FB1] =	sst s8  }
0x11: {  	[smem:$0x3FB2] =	sst s9;
	s0 =	simm.s32 @!p0 $0x0  }
0x12: {  	s1 =	sld [smem:$0x3F98];
	s0 =	simm.s32 @p0 $0x1  }
0x13: {  	[smem:$0x3FB3] =	sst s0;
	s0 =	simm.s32 @!p1 $0x0  }
0x14: {  	s2 =	sld [smem:$0x3F97];
	s0 =	simm.s32 @p1 $0x1  }
0x15: {  	[smem:$0x3FB4] =	sst s0;
	s0 =	simm.s32 @!p2 $0x0  }
0x16: {  	s3 =	sld [smem:$0x3FDB];
	s0 =	simm.s32 @p2 $0x1  }
0x17: {  	s4 =	simm.s32 $0x1BF5;
	[smem:$0x3FB6] =	sst s0  }
0x18: {  	s0 =	sld [smem:$0x3F99];
	_ =	swait.ge [sflag:s4], $0x0  }
0x19: {  	s7 =	sld [smem:$0x3F9A]  }
0x1a: {  	s8 =	sadd.s32 $0xFFFFE003, lr  }
0x1b: {  	s9 =	sadd.s32 $0xFFFFFEF7, lr;
	s5 =	simm.s32 $0xFFFFFFFF;
	p2 =	slt.u32 s8, $0xFFFFF086  }
0x1c: {  	p1 =	slt.u32 s9, $0xF7A;
	s5 =	simm.s32 @!p2 $0x0  }
0x1d: {  	s5 =	simm.s32 @p1 $0x1;
	p0 =	seq.s32 s7, s2  }
0x1e: {  	s7 =	smul.u32 @!p0 $0xF7A, s2;
	p2 =	seq.s32 @!p0 s5, $0x0  }
0x1f: {  	s9 =	smul.u32 $0xF7A, s1;
	s8 =	simm.s32 @!p0 $0x1BF5;
	p2 =	por !p2, p0  }
0x20: {  	[sflag:s8] =	ssyncset.s32 @!p0 $0xFFFFF086;
	s6 =	sadd.s32 @!p0 s3, s7;
	s7 =	simm.s32 @!p0 $0x108  }
0x21: {  	s3 =	sadd.s32 s3, s9;
	s6 =	sadd.s32 @!p0 $0x88, s6;
	s7 =	simm.s32 @p2 $0x1082  }
0x22: {  	[simem:s7], [sflag:s8] =	dma.local @!p0 [hbm:s6], $0xF7A  }
0x23: {  	s9 =	sor.u32 $0xD0000000, s2;
	s6 =	simm.s32 $0x108;
	_ =	swait.ge @!p0 [sflag:s8], $0x0  }
0x24: {  	s3 =	sadd.s32 $0x88, s3;
	s6 =	simm.s32 @!p1 $0x1082;
	[sflag:s4] =	ssyncset.s32 $0xFFFFF086  }
0x25: {  	[simem:s6], [sflag:s4] =	dma.local [hbm:s3], $0xF7A  }
0x26: {  	[smem:$0x3F9A] =	sst s1;
	(tag) =	ssettag s2;
	_ =	strace s9  }
0x27: {  	s1 =	sld [smem:$0x3FAA]  }
0x28: {  	s2 =	sld [smem:$0x3FAB]  }
0x29: {  	s4 =	sld [smem:$0x3FAD]  }
0x2a: {  	p0 =	seq.s32 s5, $0x0;
	s5 =	sld [smem:$0x3FAE]  }
0x2b: {  	s6 =	sld [smem:$0x3FAF]  }
0x2c: {  	s7 =	sld [smem:$0x3FB0]  }
0x2d: {  	s3 =	simm.s32 $0x108;
	s8 =	sld [smem:$0x3FB1]  }
0x2e: {  	s3 =	simm.s32 @!p0 $0x1082;
	s9 =	sld [smem:$0x3FB2]  }
0x2f: {  	lr =	sadd.s32 s0, s3;
	s0 =	sld [smem:$0x3FA9]  }
0x30: {  	s3 =	sld [smem:$0x3FAC]  }
0x31: {  	[smem:$0x3FB5] =	sst s10  }
0x32: {  	s10 =	sld [smem:$0x3FB3];
	_ =	sdelay $0x3  }
0x33: {  	p0 =	seq.s32 s10, $0x1;
	s10 =	sld [smem:$0x3FB5];
	_ =	sdelay $0x3  }
0x34: {  	[smem:$0x3FB5] =	sst s10  }
0x35: {  	s10 =	sld [smem:$0x3FB4];
	_ =	sdelay $0x3  }
0x36: {  	p1 =	seq.s32 s10, $0x1;
	s10 =	sld [smem:$0x3FB5];
	_ =	sdelay $0x3  }
0x37: {  	[smem:$0x3FB5] =	sst s10  }
0x38: {  	s10 =	sld [smem:$0x3FB6]  }
0x39: {  	_ = 	snop;
	(pc) =	sbr.ind lr, $3  }
0x3a: {  	_ = 	snop  }
0x3b: {  	_ = 	snop  }
0x3c: {  	p2 =	seq.s32 s10, $0x1;
	s10 =	sld [smem:$0x3FB5]  }
0x3d: {  	_ =	shalt  }
0x3e: {  	_ =	shalt  }
0x3f: {  	_ =	shalt  }
0x40: {  	_ =	shalt  }
0x41: {  	_ =	shalt  }
0x42: {  	_ =	shalt  }
0x43: {  	_ =	shalt  }
0x44: {  	_ =	shalt  }
0x45: {  	_ =	shalt  }
0x46: {  	_ =	shalt  }
0x47: {  	_ =	shalt  }
0x48: {  	_ =	shalt  }
0x49: {  	_ =	shalt  }
0x4a: {  	_ =	shalt  }
0x4b: {  	_ =	shalt  }
0x4c: {  	_ =	shalt  }
0x4d: {  	_ =	shalt  }
0x4e: {  	_ =	shalt  }
0x4f: {  	_ =	shalt  }
0x50: {  	_ =	shalt  }
0x51: {  	_ =	shalt  }
0x52: {  	_ =	shalt  }
0x53: {  	_ =	shalt  }
0x54: {  	_ =	shalt  }
0x55: {  	_ =	shalt  }
0x56: {  	_ =	shalt  }
0x57: {  	_ =	shalt  }
0x58: {  	_ =	shalt  }
0x59: {  	_ =	shalt  }
0x5a: {  	_ =	shalt  }
0x5b: {  	_ =	shalt  }
0x5c: {  	_ =	shalt  }
0x5d: {  	_ =	shalt  }
0x5e: {  	_ =	shalt  }
0x5f: {  	_ =	shalt  }
0x60: {  	_ =	shalt  }
0x61: {  	_ =	shalt  }
0x62: {  	_ =	shalt  }
0x63: {  	_ =	shalt  }
0x64: {  	_ =	shalt  }
0x65: {  	_ =	shalt  }
0x66: {  	_ =	shalt  }
0x67: {  	_ =	shalt  }
0x68: {  	_ =	shalt  }
0x69: {  	_ =	shalt  }
0x6a: {  	_ =	shalt  }
0x6b: {  	_ =	shalt  }
0x6c: {  	_ =	shalt  }
0x6d: {  	_ =	shalt  }
0x6e: {  	_ =	shalt  }
0x6f: {  	_ =	shalt  }
0x70: {  	_ =	shalt  }
0x71: {  	_ =	shalt  }
0x72: {  	_ =	shalt  }
0x73: {  	_ =	shalt  }
0x74: {  	_ =	shalt  }
0x75: {  	_ =	shalt  }
0x76: {  	_ =	shalt  }
0x77: {  	_ =	shalt  }
0x78: {  	_ =	shalt  }
0x79: {  	_ =	shalt  }
0x7a: {  	_ =	shalt  }
0x7b: {  	_ =	shalt  }
0x7c: {  	_ =	shalt  }
0x7d: {  	_ =	shalt  }
0x7e: {  	_ =	shalt  }
0x7f: {  	_ =	shalt  }
0x80: {  	_ =	shalt  }
0x81: {  	_ =	shalt  }
0x82: {  	_ =	shalt  }
0x83: {  	_ =	shalt  }
0x84: {  	_ =	shalt  }
0x85: {  	_ =	shalt  }
0x86: {  	_ =	shalt  }
0x87: {  	_ =	shalt  }
.Lfunc_end0:
.L_simem_size_0:
called_computation_lowered:
.L_overlay_start_0:
0x88: {  	s2 =	sld [smem:$0x3FD9]  }
0x89: {  	s3 =	sld [smem:$0x3FFE];
	_ =	sdelay $0x1  }
0x8a: {  	s1 =	srdreg.scid  }
0x8b: {  	s0 =	sand.u32 $0x1, s1  }
0x8c: {  	s17 =	sshll.u32 s0, $0xA;
	s2 =	sadd.s32 s3, s2  }
0x8d: {  	s2 =	sadd.s32 s2, s17  }
0x8e: {  	[smem:$0x3FC1] =	sst s2  }
0x8f: {  	_ = 	snop  }
0x90: {  	s2 =	sld [smem:$0x3FC9]  }
0x91: {  	s18 =	sld [smem:$0x3FD0];
	(tm) =	ssettm $0x1  }
0x92: {  	s4 =	sld [smem:$0x3FFB];
	_ =	sdelay $0x3  }
0x93: {  	_ =	strace s4  }
0x94: {  	s4 =	sld [smem:$0x3FFC];
	_ =	sdelay $0x3  }
0x95: {  	_ =	strace s4  }
0x96: {  	s4 =	sld [smem:$0x3FFD];
	_ =	sdelay $0x3  }
0x97: {  	_ =	strace s4  }
0x98: {  	_ =	strace $0x8FFFFFFF  }
0x99: {  	s19 =	sld [smem:$0x3FDB];
	_ =	sdelay $0x1  }
0x9a: {  	s5 =	simm.s32 $_scs_section_size  }
0x9b: {  	s6 =	simm.s32 $_size__tile_overlayer_lowered;
	s7 =	simm.s32 $_tile_overlayer_lowered  }
0x9c: {  	s22 =	simm.s32 $0x1BFF;
	s21 =	sshll.u32 s7, $0x1;
	s4 =	sadd.s32 s5, s19  }
0x9d: {  	s8 =	simm.s32 $0x0;
	s20 =	sshll.u32 s6, $0x1;
	s6 =	sadd.s32 s21, s4  }
0x9e: {  	[timem:s8], [sflag:s22] =	dma.local [hbm:s6], s20  }
0x9f: {  	_ =	swait.ge [sflag:s22], s20  }
0xa0: {  	s5 =	ssub.s32 $0x0, s20;
	[sflag:s22] =	ssyncset.done $0x0  }
0xa1: {  	[sflag:s22] =	ssyncadd.s32 s5;
	_ =	sdelay $0x1  }
0xa2: {  	s23 =	simm.s32 $0x1B8B  }
0xa3: {  	_ =	swait.ge [sflag:s23], $0x1  }
0xa4: {  	[sflag:s23] =	ssyncset.done $0x0  }
0xa5: {  	s25 =	simm.s32 $0x1B8E;
	s24 =	sld [smem:$0x3FFE];
	[sflag:s23] =	ssyncadd.s32 $0xFFFFFFFF  }
0xa6: {  	s26 =	simm.s32 $execute0_lowered;
	[smem:$0x3FD2] =	sst s25  }
0xa7: {  	s6 =	sshll.u32 s26, $0x1;
	_ =	strace $0x80000046;
	[dreg:$0x1] =	wrdreg $0xFFFFFFFF  }
0xa8: {  	s28 =	simm.s32 $_size_execute0_lowered;
	s4 =	sadd.s32 s4, s6;
	[dreg:$0x0] =	wrdreg $0x0  }
0xa9: {  	s6 =	sshll.u32 s28, $0x1;
	[dreg:$0x2] =	wrdreg s4  }
0xaa: {  	[dreg:$0x3] =	wrdreg s6  }
0xab: {  	[dreg:$0x4] =	wrdreg $0xC0  }
0xac: {  	_ =	task [dreg:s8], $0x5FFFF  }
0xad: {  	[dreg:$0x1] =	wrdreg $0xFFFFFFFF  }
0xae: {  	[dreg:$0x0] =	wrdreg $0x60  }
0xaf: {  	[dreg:$0x2] =	wrdreg s2  }
0xb0: {  	[dreg:$0x3] =	wrdreg s18  }
0xb1: {  	[dreg:$0x4] =	wrdreg s24  }
0xb2: {  	[dreg:$0x5] =	wrdreg $0x28000  }
0xb3: {  	[dreg:$0x6] =	wrdreg $0x9  }
0xb4: {  	_ =	task.clear_ibuf [dreg:s8], $0x7FFFF;
	_ =	strace $0x90000046  }
0xb5: {  	s29 =	simm.s32 $0x9;
	_ =	strace $0x80000048  }
0xb6: {  	_ =	swait.ge [sflag:s29], $0x1  }
0xb7: {  	[sflag:s29] =	ssyncadd.s32 $0xFFFFFFFF  }
0xb8: {  	_ =	strace $0x90000048  }
0xb9: {  	_ =	sfence  }
0xba: {  	s30 =	sld [smem:$0x0];
	_ =	sdelay $0x2  }
0xbb: {  	s31 =	sshll.u32 s1, $0xD;
	s1 =	sshrl.u32 s1, $0x2  }
0xbc: {  	s3 =	sand.u32 $0x4000, s31;
	s1 =	sadd.s32 s1, s30  }
0xbd: {  	s0 =	sor.u32 s3, s0;
	s1 =	sshll.u32 s1, $0x11  }
0xbe: {  	s0 =	sor.u32 s1, s0  }
0xbf: {  	s0 =	sadd.s32 $0x8F2B, s0  }
0xc0: {  	[sflag:s0] =	ssyncadd.remote.s32 $0x1  }
0xc1: {  	_ =	sfence.sel $0xFFFF  }
0xc2: {  	[dreg:$0x0] =	wrdreg $0xFFFFFFFF;
	(pc) =	sbr.abs _section_cstart, $3  }
0xc3: {  	[dreg:$0x1] =	wrdreg $0xFFFFFFFF  }
0xc4: {  	_ =	task.clear_ibuf [dreg:s8], $0x2FFFF;
	_ =	strace $0x9FFFFFFF  }
0xc5: {  	(tm) =	ssettm $0x7FFFFFFF  }
tec
execute0_lowered:
.L_overlay_start_1:
0x0: {  	(tag) =	ssettag $0x1  }
0x1: {  	s0 =	rddreg [dreg:$0x0]  }
0x2: {  	s12 =	rddreg [dreg:$0x1]  }
0x3: {  	s6 =	rddreg [dreg:$0x2];
	s1 =	srdreg.scid  }
0x4: {  	s3 =	rddreg [dreg:$0x3];
	s2 =	stileid.u32  }
0x5: {  	s4 =	simm.s32 $0x0;
	s18 =	simm.s32 $0x1400;
	s19 =	simm.s32 $0x80  }
0x6: {  	s20 =	simm.s32 $0x1A800;
	s21 =	simm.s32 $0x1;
	s22 =	simm.s32 $0x2  }
0x7: {  	s23 =	simm.s32 $0x2700;
	s24 =	simm.s32 $0x2780;
	s8 =	smul.u32 $0x14000, s2  }
0x8: {  	s5 =	sand.u32 $0x1, s1;
	s1 =	rddreg [dreg:$0x4];
	s28 =	smul.u32 $0x50000, s2  }
0x9: {  	[smem:$0x7FF] =	sst s4;
	s13 =	sadd.s32 $0x1600, s6;
	s7 =	smul.u32 $0x140000, s5  }
0xa: {  	_ =	strace $0x80000047;
	s9 =	sshll.u32 s5, $0x4;
	s10 =	ssub.s32 $0x2, s5  }
0xb: {  	s9 =	sor.u32 s2, s9;
	s29 =	sshrl.u32 s28, $0x2;
	s30 =	sshrl.u32 s10, $0x1  }
0xc: {  	s7 =	sadd.s32 s8, s7;
	s5 =	sadd.s32 s29, s3;
	s11 =	smul.u32 $0x2800, s9  }
0xd: {  	s15 =	ssub.s32 s10, s30;
	s16 =	smul.u32 $0x500, s9;
	s7 =	sshrl.u32 s7, $0x3  }
0xe: {  	s8 =	sadd.s32 $0xC000, s5;
	s9 =	sadd.s32 $0x10000, s5;
	s15 =	smax.u32 s15, $0x1  }
0xf: {  	s14 =	sadd.s32 s7, s6;
	s6 =	sadd.s32 $0x4000, s5;
	s7 =	sadd.s32 $0x8000, s5  }
0x10: {  	s31 =	sshrl.u32 s11, $0x3;
	s10 =	sadd.s32 s12, s16;
	s11 =	sadd.s32 s13, s16  }
0x11: {  	s16 =	simm.s32 $0x16800;
	s17 =	sadd.s32 $0x280, s31;
	s14 =	sadd.s32 $0xB600, s14  }
0x12: {  	v0 =	vimm.f32 $0.0e+00;
	s12 =	sadd.s32 s12, s17;
	s13 =	sadd.s32 s13, s17;
	s17 =	simm.s32 $0x3  }
.LBB2_1:
0x13: {  	s25 =	simm.s32 $0x0;
	s26 =	simm.s32 $0x200  }
.LBB2_2:
0x14: {  	p0 =	sne.s32 s26, $0xFE00;
	[tilespmem:s25+$0x16870] =	vst v0  }
0x15: {  	[tilespmem:s25+$0x16800] =	vst v0  }
0x16: {  	[tilespmem:s25+$0x16810] =	vst v0  }
.Ltmp0:
0x17: {  	[tilespmem:s25+$0x16820] =	vst v0;
	(pc) =	sbr.rel @p0 .LBB2_2-.Ltmp0, $4  }
0x18: {  	[tilespmem:s25+$0x16830] =	vst v0  }
0x19: {  	[tilespmem:s25+$0x16840] =	vst v0  }
0x1a: {  	[tilespmem:s25+$0x16850] =	vst v0  }
0x1b: {  	[tilespmem:s25+$0x16860] =	vst v0;
	s25 =	sshra.s32 s26, $0x2;
	s26 =	sadd.s32 $0x200, s26  }
0x1c: {  	[tilespmem:s25+$0x16870] =	vst v0  }
0x1d: {  	[tilespmem:s25+$0x16800] =	vst v0  }
0x1e: {  	[tilespmem:s25+$0x16810] =	vst v0  }
0x1f: {  	[tilespmem:s25+$0x16820] =	vst v0  }
0x20: {  	[tilespmem:s25+$0x16830] =	vst v0  }
0x21: {  	[tilespmem:s25+$0x16840] =	vst v0  }
0x22: {  	[tilespmem:s25+$0x16850] =	vst v0  }
0x23: {  	[tilespmem:s25+$0x16860] =	vst v0  }
0x24: {  	[spmem:s5] =	stream.linear.scatter [tilespmem:s16], [sflag:$0x3], $0x4000, $0x38;
	[tilespmem:$0x1E800] =	vst v63  }
0x25: {  	_ =	swait.ge [sflag:s17], $0x4000  }
0x26: {  	[sflag:s17] =	ssyncset.done $0x0  }
0x27: {  	[sflag:s17] =	ssyncadd.s32 $0xFFFFC000  }
0x28: {  	[spmem:s6] =	stream.linear.scatter [tilespmem:s16], [sflag:$0x3], $0x4000, $0x38;
	[tilespmem:$0x1E800] =	vst v63  }
0x29: {  	_ =	swait.ge [sflag:s17], $0x4000  }
0x2a: {  	[sflag:s17] =	ssyncset.done $0x0  }
0x2b: {  	[sflag:s17] =	ssyncadd.s32 $0xFFFFC000  }
0x2c: {  	[spmem:s7] =	stream.linear.scatter [tilespmem:s16], [sflag:$0x3], $0x4000, $0x38;
	[tilespmem:$0x1E800] =	vst v63  }
0x2d: {  	_ =	swait.ge [sflag:s17], $0x4000  }
0x2e: {  	[sflag:s17] =	ssyncset.done $0x0  }
0x2f: {  	[sflag:s17] =	ssyncadd.s32 $0xFFFFC000  }
0x30: {  	[spmem:s8] =	stream.linear.scatter [tilespmem:s16], [sflag:$0x3], $0x4000, $0x38;
	[tilespmem:$0x1E800] =	vst v63  }
0x31: {  	_ =	swait.ge [sflag:s17], $0x4000  }
0x32: {  	[sflag:s17] =	ssyncset.done $0x0  }
0x33: {  	[sflag:s17] =	ssyncadd.s32 $0xFFFFC000  }
0x34: {  	[spmem:s9] =	stream.linear.scatter [tilespmem:s16], [sflag:$0x3], $0x4000, $0x38;
	[tilespmem:$0x1E800] =	vst v63  }
0x35: {  	_ =	swait.ge [sflag:s17], $0x4000  }
0x36: {  	[sflag:s17] =	ssyncset.done $0x0  }
0x37: {  	[sflag:s17] =	ssyncadd.s32 $0xFFFFC000  }
0x38: {  	s28 =	simm.s32 $0x0;
	[bflag:$0x0] =	sbarrier.arrive $0xFFFF  }
0x39: {  	[tilespmem:s28], [sflag:$0x3] =	stream.linear.gather [hbm4b:s10+s28], $0x1400, $0x38;
	[tilespmem:$0x1E800] =	vst v63  }
0x3a: {  	_ =	swait.ge [sflag:s17], $0x1400  }
0x3b: {  	[sflag:s17] =	ssyncset.done $0x0  }
0x3c: {  	[sflag:s17] =	ssyncadd.s32 $0xFFFFEC00  }
0x3d: {  	[tilespmem:s18], [sflag:$0x3] =	stream.linear.gather [hbm4b:s11+s28], $0x1400, $0x38;
	[tilespmem:$0x1E800] =	vst v63  }
0x3e: {  	_ =	swait.ge [sflag:s17], $0x1400  }
0x3f: {  	[sflag:s17] =	ssyncset.done $0x0  }
0x40: {  	[sflag:s17] =	ssyncadd.s32 $0xFFFFEC00  }
0x41: {  	[tilespmem:s16], [sflag:$0x1] =	stream.indirect.gather [hbm4b:s0+s19], $0x80, s28, s19, $0xb8;
	[tilespmem:$0x1E800] =	vst v63  }
0x42: {  	_ = 	snop  }
0x43: {  	[tilespmem:s20], [sflag:$0x2] =	stream.indirect.gather [hbm4b:s0+s19], $0x80, s19, s19, $0xb8;
	[tilespmem:$0x1E800] =	vst v63  }
0x44: {  	_ =	swait.ge [sflag:s21], $0x4000  }
0x45: {  	[sflag:s21] =	ssyncset.done $0x0  }
0x46: {  	s29 =	simm.s32 $0x1400;
	[sflag:s21] =	ssyncadd.s32 $0xFFFFC000  }
0x47: {  	[spmem:s3] =	stream.indirect.scatter.add.f32 [tilespmem:s16], [sflag:$0x3], $0x80, s29, s19, $0xb8;
	[tilespmem:$0x1E800] =	vst v63  }
0x48: {  	_ =	swait.ge [sflag:s17], $0x4000  }
0x49: {  	[sflag:s17] =	ssyncset.done $0x0  }
0x4a: {  	s30 =	simm.s32 $0x100;
	[sflag:s17] =	ssyncadd.s32 $0xFFFFC000  }
0x4b: {  	[tilespmem:s16], [sflag:$0x1] =	stream.indirect.gather [hbm4b:s0+s19], $0x80, s30, s19, $0xb8;
	[tilespmem:$0x1E800] =	vst v63  }
0x4c: {  	_ =	swait.ge [sflag:s22], $0x4000  }
0x4d: {  	[sflag:s22] =	ssyncset.done $0x0  }
0x4e: {  	s31 =	simm.s32 $0x1480;
	[sflag:s22] =	ssyncadd.s32 $0xFFFFC000  }
0x4f: {  	[spmem:s3] =	stream.indirect.scatter.add.f32 [tilespmem:s20], [sflag:$0x3], $0x80, s31, s19, $0xb8;
	[tilespmem:$0x1E800] =	vst v63  }
0x50: {  	_ =	swait.ge [sflag:s17], $0x4000  }
0x51: {  	[sflag:s17] =	ssyncset.done $0x0  }
0x52: {  	s25 =	simm.s32 $0x400;
	s26 =	simm.s32 $0x180;
	[sflag:s17] =	ssyncadd.s32 $0xFFFFC000  }
.LBB2_4:
0x53: {  	[tilespmem:s20], [sflag:$0x2] =	stream.indirect.gather [hbm4b:s0+s19], $0x80, s26, s19, $0xb8;
	[tilespmem:$0x1E800] =	vst v63  }
0x54: {  	s26 =	smov.u32 s25  }
0x55: {  	p0 =	sne.s32 s25, $0x4800;
	s25 =	sadd.s32 $0x400, s25;
	_ =	swait.ge [sflag:s21], $0x4000  }
0x56: {  	s26 =	sshra.s32 s26, $0x2;
	[sflag:s21] =	ssyncset.done $0x0  }
0x57: {  	s28 =	sadd.s32 $0x1400, s26;
	[sflag:s21] =	ssyncadd.s32 $0xFFFFC000  }
0x58: {  	[spmem:s3] =	stream.indirect.scatter.add.f32 [tilespmem:s16], [sflag:$0x3], $0x80, s28, s19, $0xb8;
	[tilespmem:$0x1E800] =	vst v63  }
0x59: {  	_ =	swait.ge [sflag:s17], $0x4000  }
0x5a: {  	[sflag:s17] =	ssyncset.done $0x0  }
0x5b: {  	s28 =	sadd.s32 $0x100, s26;
	[sflag:s17] =	ssyncadd.s32 $0xFFFFC000  }
0x5c: {  	[tilespmem:s16], [sflag:$0x1] =	stream.indirect.gather [hbm4b:s0+s19], $0x80, s28, s19, $0xb8;
	[tilespmem:$0x1E800] =	vst v63  }
0x5d: {  	_ =	swait.ge [sflag:s22], $0x4000  }
0x5e: {  	[sflag:s22] =	ssyncset.done $0x0  }
.Ltmp1:
0x5f: {  	s28 =	sadd.s32 $0x1480, s26;
	[sflag:s22] =	ssyncadd.s32 $0xFFFFC000;
	(pc) =	sbr.rel @p0 .LBB2_4-.Ltmp1, $4  }
0x60: {  	[spmem:s3] =	stream.indirect.scatter.add.f32 [tilespmem:s20], [sflag:$0x3], $0x80, s28, s19, $0xb8;
	[tilespmem:$0x1E800] =	vst v63  }
0x61: {  	_ =	swait.ge [sflag:s17], $0x4000  }
0x62: {  	[sflag:s17] =	ssyncset.done $0x0  }
0x63: {  	s26 =	sadd.s32 $0x180, s26;
	[sflag:s17] =	ssyncadd.s32 $0xFFFFC000  }
0x64: {  	[tilespmem:s20], [sflag:$0x2] =	stream.indirect.gather [hbm4b:s0+s19], $0x80, s26, s19, $0xb8;
	[tilespmem:$0x1E800] =	vst v63  }
0x65: {  	_ =	swait.ge [sflag:s21], $0x4000  }
0x66: {  	[sflag:s21] =	ssyncset.done $0x0  }
0x67: {  	[sflag:s21] =	ssyncadd.s32 $0xFFFFC000  }
0x68: {  	[spmem:s3] =	stream.indirect.scatter.add.f32 [tilespmem:s16], [sflag:$0x3], $0x80, s23, s19, $0xb8;
	[tilespmem:$0x1E800] =	vst v63  }
0x69: {  	_ =	swait.ge [sflag:s17], $0x4000  }
0x6a: {  	[sflag:s17] =	ssyncset.done $0x0  }
0x6b: {  	[sflag:s17] =	ssyncadd.s32 $0xFFFFC000  }
0x6c: {  	_ =	swait.ge [sflag:s22], $0x4000  }
0x6d: {  	[sflag:s22] =	ssyncset.done $0x0  }
0x6e: {  	[sflag:s22] =	ssyncadd.s32 $0xFFFFC000  }
0x6f: {  	[spmem:s3] =	stream.indirect.scatter.add.f32 [tilespmem:s20], [sflag:$0x3], $0x80, s24, s19, $0xb8;
	[tilespmem:$0x1E800] =	vst v63  }
0x70: {  	_ =	swait.ge [sflag:s17], $0x4000  }
0x71: {  	[sflag:s17] =	ssyncset.done $0x0  }
0x72: {  	s25 =	simm.s32 $0x0;
	[sflag:s17] =	ssyncadd.s32 $0xFFFFC000  }
0x73: {  	[tilespmem:s25], [sflag:$0x3] =	stream.linear.gather [hbm4b:s12+s25], $0x1400, $0x38;
	[tilespmem:$0x1E800] =	vst v63  }
0x74: {  	_ =	swait.ge [sflag:s17], $0x1400  }
0x75: {  	[sflag:s17] =	ssyncset.done $0x0  }
0x76: {  	[sflag:s17] =	ssyncadd.s32 $0xFFFFEC00  }
0x77: {  	[tilespmem:s18], [sflag:$0x3] =	stream.linear.gather [hbm4b:s13+s25], $0x1400, $0x38;
	[tilespmem:$0x1E800] =	vst v63  }
0x78: {  	_ =	swait.ge [sflag:s17], $0x1400  }
0x79: {  	[sflag:s17] =	ssyncset.done $0x0  }
0x7a: {  	[sflag:s17] =	ssyncadd.s32 $0xFFFFEC00  }
0x7b: {  	[tilespmem:s16], [sflag:$0x1] =	stream.indirect.gather [hbm4b:s0+s19], $0x80, s25, s19, $0xb8;
	[tilespmem:$0x1E800] =	vst v63  }
0x7c: {  	_ = 	snop  }
0x7d: {  	[tilespmem:s20], [sflag:$0x2] =	stream.indirect.gather [hbm4b:s0+s19], $0x80, s19, s19, $0xb8;
	[tilespmem:$0x1E800] =	vst v63  }
0x7e: {  	_ =	swait.ge [sflag:s21], $0x4000  }
0x7f: {  	[sflag:s21] =	ssyncset.done $0x0  }
0x80: {  	s29 =	simm.s32 $0x1400;
	[sflag:s21] =	ssyncadd.s32 $0xFFFFC000  }
0x81: {  	[spmem:s3] =	stream.indirect.scatter.add.f32 [tilespmem:s16], [sflag:$0x3], $0x80, s29, s19, $0xb8;
	[tilespmem:$0x1E800] =	vst v63  }
0x82: {  	_ =	swait.ge [sflag:s17], $0x4000  }
0x83: {  	[sflag:s17] =	ssyncset.done $0x0  }
0x84: {  	s30 =	simm.s32 $0x100;
	[sflag:s17] =	ssyncadd.s32 $0xFFFFC000  }
0x85: {  	[tilespmem:s16], [sflag:$0x1] =	stream.indirect.gather [hbm4b:s0+s19], $0x80, s30, s19, $0xb8;
	[tilespmem:$0x1E800] =	vst v63  }
0x86: {  	_ =	swait.ge [sflag:s22], $0x4000  }
0x87: {  	[sflag:s22] =	ssyncset.done $0x0  }
0x88: {  	s31 =	simm.s32 $0x1480;
	[sflag:s22] =	ssyncadd.s32 $0xFFFFC000  }
0x89: {  	[spmem:s3] =	stream.indirect.scatter.add.f32 [tilespmem:s20], [sflag:$0x3], $0x80, s31, s19, $0xb8;
	[tilespmem:$0x1E800] =	vst v63  }
0x8a: {  	_ =	swait.ge [sflag:s17], $0x4000  }
0x8b: {  	[sflag:s17] =	ssyncset.done $0x0  }
0x8c: {  	s26 =	simm.s32 $0x180;
	s25 =	simm.s32 $0x400;
	[sflag:s17] =	ssyncadd.s32 $0xFFFFC000  }
.LBB2_6:
0x8d: {  	[tilespmem:s20], [sflag:$0x2] =	stream.indirect.gather [hbm4b:s0+s19], $0x80, s26, s19, $0xb8;
	[tilespmem:$0x1E800] =	vst v63  }
0x8e: {  	s26 =	smov.u32 s25  }
0x8f: {  	p0 =	sne.s32 s25, $0x4800;
	s25 =	sadd.s32 $0x400, s25;
	_ =	swait.ge [sflag:s21], $0x4000  }
0x90: {  	s26 =	sshra.s32 s26, $0x2;
	[sflag:s21] =	ssyncset.done $0x0  }
0x91: {  	s28 =	sadd.s32 $0x1400, s26;
	[sflag:s21] =	ssyncadd.s32 $0xFFFFC000  }
0x92: {  	[spmem:s3] =	stream.indirect.scatter.add.f32 [tilespmem:s16], [sflag:$0x3], $0x80, s28, s19, $0xb8;
	[tilespmem:$0x1E800] =	vst v63  }
0x93: {  	_ =	swait.ge [sflag:s17], $0x4000  }
0x94: {  	[sflag:s17] =	ssyncset.done $0x0  }
0x95: {  	s28 =	sadd.s32 $0x100, s26;
	[sflag:s17] =	ssyncadd.s32 $0xFFFFC000  }
0x96: {  	[tilespmem:s16], [sflag:$0x1] =	stream.indirect.gather [hbm4b:s0+s19], $0x80, s28, s19, $0xb8;
	[tilespmem:$0x1E800] =	vst v63  }
0x97: {  	_ =	swait.ge [sflag:s22], $0x4000  }
0x98: {  	[sflag:s22] =	ssyncset.done $0x0  }
.Ltmp2:
0x99: {  	s28 =	sadd.s32 $0x1480, s26;
	[sflag:s22] =	ssyncadd.s32 $0xFFFFC000;
	(pc) =	sbr.rel @p0 .LBB2_6-.Ltmp2, $4  }
0x9a: {  	[spmem:s3] =	stream.indirect.scatter.add.f32 [tilespmem:s20], [sflag:$0x3], $0x80, s28, s19, $0xb8;
	[tilespmem:$0x1E800] =	vst v63  }
0x9b: {  	_ =	swait.ge [sflag:s17], $0x4000  }
0x9c: {  	[sflag:s17] =	ssyncset.done $0x0  }
0x9d: {  	s26 =	sadd.s32 $0x180, s26;
	[sflag:s17] =	ssyncadd.s32 $0xFFFFC000  }
0x9e: {  	[tilespmem:s20], [sflag:$0x2] =	stream.indirect.gather [hbm4b:s0+s19], $0x80, s26, s19, $0xb8;
	[tilespmem:$0x1E800] =	vst v63  }
0x9f: {  	_ =	swait.ge [sflag:s21], $0x4000  }
0xa0: {  	[sflag:s21] =	ssyncset.done $0x0  }
0xa1: {  	[sflag:s21] =	ssyncadd.s32 $0xFFFFC000  }
0xa2: {  	[spmem:s3] =	stream.indirect.scatter.add.f32 [tilespmem:s16], [sflag:$0x3], $0x80, s23, s19, $0xb8;
	[tilespmem:$0x1E800] =	vst v63  }
0xa3: {  	_ =	swait.ge [sflag:s17], $0x4000  }
0xa4: {  	[sflag:s17] =	ssyncset.done $0x0  }
0xa5: {  	[sflag:s17] =	ssyncadd.s32 $0xFFFFC000  }
0xa6: {  	_ =	swait.ge [sflag:s22], $0x4000  }
0xa7: {  	[sflag:s22] =	ssyncset.done $0x0  }
0xa8: {  	[sflag:s22] =	ssyncadd.s32 $0xFFFFC000  }
0xa9: {  	[spmem:s3] =	stream.indirect.scatter.add.f32 [tilespmem:s20], [sflag:$0x3], $0x80, s24, s19, $0xb8;
	[tilespmem:$0x1E800] =	vst v63  }
0xaa: {  	_ =	swait.ge [sflag:s17], $0x4000  }
0xab: {  	s25 =	sshll.u32 s2, $0x6;
	s4 =	sadd.s32 $0x1, s4;
	[sflag:s17] =	ssyncset.done $0x0  }
0xac: {  	s31 =	sshrl.u32 s5, $0x3;
	p0 =	sne.s32 s4, s15;
	[sflag:s17] =	ssyncadd.s32 $0xFFFFC000  }
.Ltmp3:
0xad: {  	s25 =	sor.u32 $0x1C03, s25;
	[bflag:$0x0] =	sbarrier.arrive $0xFFFF;
	(pc) =	sbr.rel @p0 .LBB2_1-.Ltmp3, $4  }
0xae: {  	[hbm:s14], [sflag:s25] =	dma.local [spmem:s31], $0x2800  }
0xaf: {  	_ =	swait.ge [sflag:s17], $0x2800  }
0xb0: {  	[sflag:s17] =	ssyncset.done $0x0  }
0xb1: {  	[sflag:s17] =	ssyncadd.s32 $0xFFFFD800  }
0xb2: {  	_ =	sfence.sel $0x180000  }
0xb3: {  	[bflag:$0x0] =	sbarrier.arrive $0xFFFF  }
0xb4: {  	p0 =	sne.s32 s2, $0x0;
	_ =	strace $0x90000047  }
0xb5: {  	s0 =	sadd.s32 @!p0 $0x100000, s1;
	[bflag:$0x2] =	sbarrier.arrive $0xFFFF  }
0xb6: {  	[sflag:s0] =	ssyncadd.tile.s32 @!p0 $0x1;
	_ =	shalt  }
.Lfunc_end2:
_tile_overlayer_lowered:
.L_overlay_start_2:
0xb7: {  	(tag) =	ssettag $0x2  }
0xb8: {  	s0 =	rddreg [dreg:$0x0];
	s2 =	stileid.u32  }
0xb9: {  	s1 =	rddreg [dreg:$0x1];
	p0 =	sne.s32 s2, $0x0  }
0xba: {  	s3 =	rddreg [dreg:$0x2];
	[bflag:$0x3] =	sbarrier.arrive $0xFFFF;
	s2 =	simm.s32 @!p0 $0x1C03  }
0xbb: {  	[timem:s3], [sflag:s2] =	dma.local @!p0 [hbm:s0], s1  }
0xbc: {  	s0 =	simm.s32 @!p0 $0x3  }
0xbd: {  	_ =	swait.ge @!p0 [sflag:s0], s1  }
0xbe: {  	s1 =	ssub.s32 @!p0 $0x0, s1;
	[sflag:s0] =	ssyncset.done @!p0 $0x0  }
0xbf: {  	[sflag:s0] =	ssyncadd.s32 @!p0 s1  }
0xc0: {  	[bflag:$0x3] =	sbarrier.arrive $0xFFFF  }
0xc1: {  	_ =	shalt  }

// kernel: kernel.8.cloned.1.call-start
scs
__scs_entry_jumppad:
0x0: {  	(pc) =	sbr.rel $0x88, $3  }
0x1: {  	(tag) =	ssettag $0x0;
	lr =	simm.s32 $0x1  }
0x2: {  	[smem:$0x3F9A] =	sst lr;
	_ =	strace $0xD0000000  }
0x3: {  	_ = 	snop  }
0x4: {  	_ = 	snop  }
0x5: {  	_ = 	snop  }
0x6: {  	_ = 	snop  }
0x7: {  	_ = 	snop  }
__scs_overlays_trampoline_lowered:
0x8: {  	[smem:$0x3FA9] =	sst s0  }
0x9: {  	[smem:$0x3FAA] =	sst s1  }
0xa: {  	[smem:$0x3FAB] =	sst s2  }
0xb: {  	[smem:$0x3FAC] =	sst s3  }
0xc: {  	[smem:$0x3FAD] =	sst s4  }
0xd: {  	[smem:$0x3FAE] =	sst s5  }
0xe: {  	[smem:$0x3FAF] =	sst s6  }
0xf: {  	[smem:$0x3FB0] =	sst s7  }
0x10: {  	[smem:$0x3FB1] =	sst s8  }
0x11: {  	[smem:$0x3FB2] =	sst s9;
	s0 =	simm.s32 @!p0 $0x0  }
0x12: {  	s1 =	sld [smem:$0x3F98];
	s0 =	simm.s32 @p0 $0x1  }
0x13: {  	[smem:$0x3FB3] =	sst s0;
	s0 =	simm.s32 @!p1 $0x0  }
0x14: {  	s2 =	sld [smem:$0x3F97];
	s0 =	simm.s32 @p1 $0x1  }
0x15: {  	[smem:$0x3FB4] =	sst s0;
	s0 =	simm.s32 @!p2 $0x0  }
0x16: {  	s3 =	sld [smem:$0x3FDB];
	s0 =	simm.s32 @p2 $0x1  }
0x17: {  	s4 =	simm.s32 $0x1BF5;
	[smem:$0x3FB6] =	sst s0  }
0x18: {  	s0 =	sld [smem:$0x3F99];
	_ =	swait.ge [sflag:s4], $0x0  }
0x19: {  	s7 =	sld [smem:$0x3F9A]  }
0x1a: {  	s8 =	sadd.s32 $0xFFFFE003, lr  }
0x1b: {  	s9 =	sadd.s32 $0xFFFFFEF7, lr;
	s5 =	simm.s32 $0xFFFFFFFF;
	p2 =	slt.u32 s8, $0xFFFFF086  }
0x1c: {  	p1 =	slt.u32 s9, $0xF7A;
	s5 =	simm.s32 @!p2 $0x0  }
0x1d: {  	s5 =	simm.s32 @p1 $0x1;
	p0 =	seq.s32 s7, s2  }
0x1e: {  	s7 =	smul.u32 @!p0 $0xF7A, s2;
	p2 =	seq.s32 @!p0 s5, $0x0  }
0x1f: {  	s9 =	smul.u32 $0xF7A, s1;
	s8 =	simm.s32 @!p0 $0x1BF5;
	p2 =	por !p2, p0  }
0x20: {  	[sflag:s8] =	ssyncset.s32 @!p0 $0xFFFFF086;
	s6 =	sadd.s32 @!p0 s3, s7;
	s7 =	simm.s32 @!p0 $0x108  }
0x21: {  	s3 =	sadd.s32 s3, s9;
	s6 =	sadd.s32 @!p0 $0x88, s6;
	s7 =	simm.s32 @p2 $0x1082  }
0x22: {  	[simem:s7], [sflag:s8] =	dma.local @!p0 [hbm:s6], $0xF7A  }
0x23: {  	s9 =	sor.u32 $0xD0000000, s2;
	s6 =	simm.s32 $0x108;
	_ =	swait.ge @!p0 [sflag:s8], $0x0  }
0x24: {  	s3 =	sadd.s32 $0x88, s3;
	s6 =	simm.s32 @!p1 $0x1082;
	[sflag:s4] =	ssyncset.s32 $0xFFFFF086  }
0x25: {  	[simem:s6], [sflag:s4] =	dma.local [hbm:s3], $0xF7A  }
0x26: {  	[smem:$0x3F9A] =	sst s1;
	(tag) =	ssettag s2;
	_ =	strace s9  }
0x27: {  	s1 =	sld [smem:$0x3FAA]  }
0x28: {  	s2 =	sld [smem:$0x3FAB]  }
0x29: {  	s4 =	sld [smem:$0x3FAD]  }
0x2a: {  	p0 =	seq.s32 s5, $0x0;
	s5 =	sld [smem:$0x3FAE]  }
0x2b: {  	s6 =	sld [smem:$0x3FAF]  }
0x2c: {  	s7 =	sld [smem:$0x3FB0]  }
0x2d: {  	s3 =	simm.s32 $0x108;
	s8 =	sld [smem:$0x3FB1]  }
0x2e: {  	s3 =	simm.s32 @!p0 $0x1082;
	s9 =	sld [smem:$0x3FB2]  }
0x2f: {  	lr =	sadd.s32 s0, s3;
	s0 =	sld [smem:$0x3FA9]  }
0x30: {  	s3 =	sld [smem:$0x3FAC]  }
0x31: {  	[smem:$0x3FB5] =	sst s10  }
0x32: {  	s10 =	sld [smem:$0x3FB3];
	_ =	sdelay $0x3  }
0x33: {  	p0 =	seq.s32 s10, $0x1;
	s10 =	sld [smem:$0x3FB5];
	_ =	sdelay $0x3  }
0x34: {  	[smem:$0x3FB5] =	sst s10  }
0x35: {  	s10 =	sld [smem:$0x3FB4];
	_ =	sdelay $0x3  }
0x36: {  	p1 =	seq.s32 s10, $0x1;
	s10 =	sld [smem:$0x3FB5];
	_ =	sdelay $0x3  }
0x37: {  	[smem:$0x3FB5] =	sst s10  }
0x38: {  	s10 =	sld [smem:$0x3FB6]  }
0x39: {  	_ = 	snop;
	(pc) =	sbr.ind lr, $3  }
0x3a: {  	_ = 	snop  }
0x3b: {  	_ = 	snop  }
0x3c: {  	p2 =	seq.s32 s10, $0x1;
	s10 =	sld [smem:$0x3FB5]  }
0x3d: {  	_ =	shalt  }
0x3e: {  	_ =	shalt  }
0x3f: {  	_ =	shalt  }
0x40: {  	_ =	shalt  }
0x41: {  	_ =	shalt  }
0x42: {  	_ =	shalt  }
0x43: {  	_ =	shalt  }
0x44: {  	_ =	shalt  }
0x45: {  	_ =	shalt  }
0x46: {  	_ =	shalt  }
0x47: {  	_ =	shalt  }
0x48: {  	_ =	shalt  }
0x49: {  	_ =	shalt  }
0x4a: {  	_ =	shalt  }
0x4b: {  	_ =	shalt  }
0x4c: {  	_ =	shalt  }
0x4d: {  	_ =	shalt  }
0x4e: {  	_ =	shalt  }
0x4f: {  	_ =	shalt  }
0x50: {  	_ =	shalt  }
0x51: {  	_ =	shalt  }
0x52: {  	_ =	shalt  }
0x53: {  	_ =	shalt  }
0x54: {  	_ =	shalt  }
0x55: {  	_ =	shalt  }
0x56: {  	_ =	shalt  }
0x57: {  	_ =	shalt  }
0x58: {  	_ =	shalt  }
0x59: {  	_ =	shalt  }
0x5a: {  	_ =	shalt  }
0x5b: {  	_ =	shalt  }
0x5c: {  	_ =	shalt  }
0x5d: {  	_ =	shalt  }
0x5e: {  	_ =	shalt  }
0x5f: {  	_ =	shalt  }
0x60: {  	_ =	shalt  }
0x61: {  	_ =	shalt  }
0x62: {  	_ =	shalt  }
0x63: {  	_ =	shalt  }
0x64: {  	_ =	shalt  }
0x65: {  	_ =	shalt  }
0x66: {  	_ =	shalt  }
0x67: {  	_ =	shalt  }
0x68: {  	_ =	shalt  }
0x69: {  	_ =	shalt  }
0x6a: {  	_ =	shalt  }
0x6b: {  	_ =	shalt  }
0x6c: {  	_ =	shalt  }
0x6d: {  	_ =	shalt  }
0x6e: {  	_ =	shalt  }
0x6f: {  	_ =	shalt  }
0x70: {  	_ =	shalt  }
0x71: {  	_ =	shalt  }
0x72: {  	_ =	shalt  }
0x73: {  	_ =	shalt  }
0x74: {  	_ =	shalt  }
0x75: {  	_ =	shalt  }
0x76: {  	_ =	shalt  }
0x77: {  	_ =	shalt  }
0x78: {  	_ =	shalt  }
0x79: {  	_ =	shalt  }
0x7a: {  	_ =	shalt  }
0x7b: {  	_ =	shalt  }
0x7c: {  	_ =	shalt  }
0x7d: {  	_ =	shalt  }
0x7e: {  	_ =	shalt  }
0x7f: {  	_ =	shalt  }
0x80: {  	_ =	shalt  }
0x81: {  	_ =	shalt  }
0x82: {  	_ =	shalt  }
0x83: {  	_ =	shalt  }
0x84: {  	_ =	shalt  }
0x85: {  	_ =	shalt  }
0x86: {  	_ =	shalt  }
0x87: {  	_ =	shalt  }
.Lfunc_end0:
.L_simem_size_0:
called_computation.1_lowered:
.L_overlay_start_0:
0x88: {  	s2 =	sld [smem:$0x3FD9]  }
0x89: {  	s3 =	sld [smem:$0x3FFE];
	_ =	sdelay $0x1  }
0x8a: {  	s1 =	srdreg.scid  }
0x8b: {  	s0 =	sand.u32 $0x1, s1  }
0x8c: {  	s17 =	sshll.u32 s0, $0xA;
	s2 =	sadd.s32 s3, s2  }
0x8d: {  	s2 =	sadd.s32 s2, s17  }
0x8e: {  	[smem:$0x3FC1] =	sst s2  }
0x8f: {  	_ = 	snop  }
0x90: {  	s2 =	sld [smem:$0x3FC8]  }
0x91: {  	s18 =	sld [smem:$0x3FD0];
	(tm) =	ssettm $0x1  }
0x92: {  	s4 =	sld [smem:$0x3FFB];
	_ =	sdelay $0x3  }
0x93: {  	_ =	strace s4  }
0x94: {  	s4 =	sld [smem:$0x3FFC];
	_ =	sdelay $0x3  }
0x95: {  	_ =	strace s4  }
0x96: {  	s4 =	sld [smem:$0x3FFD];
	_ =	sdelay $0x3  }
0x97: {  	_ =	strace s4  }
0x98: {  	_ =	strace $0x8FFFFFFF  }
0x99: {  	s19 =	sld [smem:$0x3FDB];
	_ =	sdelay $0x1  }
0x9a: {  	s5 =	simm.s32 $_scs_section_size  }
0x9b: {  	s6 =	simm.s32 $_size__tile_overlayer_lowered;
	s7 =	simm.s32 $_tile_overlayer_lowered  }
0x9c: {  	s22 =	simm.s32 $0x1BFF;
	s21 =	sshll.u32 s7, $0x1;
	s4 =	sadd.s32 s5, s19  }
0x9d: {  	s8 =	simm.s32 $0x0;
	s20 =	sshll.u32 s6, $0x1;
	s6 =	sadd.s32 s21, s4  }
0x9e: {  	[timem:s8], [sflag:s22] =	dma.local [hbm:s6], s20  }
0x9f: {  	_ =	swait.ge [sflag:s22], s20  }
0xa0: {  	s5 =	ssub.s32 $0x0, s20;
	[sflag:s22] =	ssyncset.done $0x0  }
0xa1: {  	[sflag:s22] =	ssyncadd.s32 s5;
	_ =	sdelay $0x1  }
0xa2: {  	s23 =	simm.s32 $0x1B8B  }
0xa3: {  	_ =	swait.ge [sflag:s23], $0x1  }
0xa4: {  	[sflag:s23] =	ssyncset.done $0x0  }
0xa5: {  	s25 =	simm.s32 $0x1B8E;
	s24 =	sld [smem:$0x3FFE];
	[sflag:s23] =	ssyncadd.s32 $0xFFFFFFFF  }
0xa6: {  	s26 =	simm.s32 $execute0_lowered;
	[smem:$0x3FD2] =	sst s25  }
0xa7: {  	s6 =	sshll.u32 s26, $0x1;
	_ =	strace $0x80000049;
	[dreg:$0x1] =	wrdreg $0xFFFFFFFF  }
0xa8: {  	s28 =	simm.s32 $_size_execute0_lowered;
	s4 =	sadd.s32 s4, s6;
	[dreg:$0x0] =	wrdreg $0x0  }
0xa9: {  	s6 =	sshll.u32 s28, $0x1;
	[dreg:$0x2] =	wrdreg s4  }
0xaa: {  	[dreg:$0x3] =	wrdreg s6  }
0xab: {  	[dreg:$0x4] =	wrdreg $0xC0  }
0xac: {  	_ =	task [dreg:s8], $0x5FFFF  }
0xad: {  	[dreg:$0x1] =	wrdreg $0xFFFFFFFF  }
0xae: {  	[dreg:$0x0] =	wrdreg $0x60  }
0xaf: {  	[dreg:$0x2] =	wrdreg s24  }
0xb0: {  	[dreg:$0x3] =	wrdreg s2  }
0xb1: {  	[dreg:$0x4] =	wrdreg s18  }
0xb2: {  	[dreg:$0x5] =	wrdreg $0x9  }
0xb3: {  	_ =	task.clear_ibuf [dreg:s8], $0x6FFFF;
	_ =	strace $0x90000049  }
0xb4: {  	s29 =	simm.s32 $0x9;
	_ =	strace $0x8000004B  }
0xb5: {  	_ =	swait.ge [sflag:s29], $0x1  }
0xb6: {  	[sflag:s29] =	ssyncadd.s32 $0xFFFFFFFF  }
0xb7: {  	_ =	strace $0x9000004B  }
0xb8: {  	_ =	sfence  }
0xb9: {  	s30 =	sld [smem:$0x0];
	_ =	sdelay $0x2  }
0xba: {  	s31 =	sshll.u32 s1, $0xD;
	s1 =	sshrl.u32 s1, $0x2  }
0xbb: {  	s3 =	sand.u32 $0x4000, s31;
	s1 =	sadd.s32 s1, s30  }
0xbc: {  	s0 =	sor.u32 s3, s0;
	s1 =	sshll.u32 s1, $0x11  }
0xbd: {  	s0 =	sor.u32 s1, s0  }
0xbe: {  	s0 =	sadd.s32 $0x8F2B, s0  }
0xbf: {  	[sflag:s0] =	ssyncadd.remote.s32 $0x1  }
0xc0: {  	_ =	sfence.sel $0xFFFF  }
0xc1: {  	[dreg:$0x0] =	wrdreg $0xFFFFFFFF;
	(pc) =	sbr.abs _section_cstart, $3  }
0xc2: {  	[dreg:$0x1] =	wrdreg $0xFFFFFFFF  }
0xc3: {  	_ =	task.clear_ibuf [dreg:s8], $0x2FFFF;
	_ =	strace $0x9FFFFFFF  }
0xc4: {  	(tm) =	ssettm $0x7FFFFFFF  }
0xc5: {  	_ =	shalt  }
tec
execute0_lowered:
.L_overlay_start_1:
0x0: {  	(tag) =	ssettag $0x1  }
0x1: {  	s1 =	srdreg.scid;
	s0 =	stileid.u32  }
0x2: {  	s5 =	rddreg [dreg:$0x0];
	s21 =	sand.u32 $0x1, s1;
	s26 =	sshll.u32 s0, $0x1  }
0x3: {  	s20 =	rddreg [dreg:$0x1];
	s18 =	sor.u32 s21, s26  }
0x4: {  	s23 =	rddreg [dreg:$0x2];
	s22 =	smul.u32 $0x140, s18  }
0x5: {  	s2 =	simm.s32 $0x0;
	s1 =	rddreg [dreg:$0x3]  }
0x6: {  	[smem:$0x7FF] =	sst s2;
	s3 =	sshrl.u32 s22, $0x3  }
0x7: {  	_ =	strace $0x8000004A;
	s4 =	sadd.s32 s20, s3;
	s3 =	simm.s32 $0x3  }
0x8: {  	[tilespmem:s2], [sflag:$0x3] =	stream.linear.gather [hbm4b:s4+s2], $0x50, $0x38;
	[tilespmem:$0x5100] =	vst v63  }
0x9: {  	s7 =	simm.s32 $0x50;
	_ =	swait.ge [sflag:s3], $0x50  }
0xa: {  	s8 =	simm.s32 $0x100;
	p0 =	seq.s32 s18, $0x1F;
	[sflag:s3] =	ssyncset.done $0x0  }
0xb: {  	s5 =	sadd.s32 $0x1600, s5;
	s9 =	simm.s32 @!p0 $0x0;
	[sflag:s3] =	ssyncadd.s32 $0xFFFFFFB0  }
0xc: {  	[tilespmem:s8], [sflag:$0x1] =	stream.indirect.gather [hbm4b:s5+s7], $0x80, s2, s7, $0xb8;
	[tilespmem:$0x5100] =	vst v63  }
0xd: {  	s10 =	simm.s32 @!p0 $0x80;
	s11 =	simm.s32 @!p0 $0x3;
	s6 =	sadd.s32 $0xA, s4  }
0xe: {  	[tilespmem:s10], [sflag:$0x3] =	stream.linear.gather @!p0 [hbm4b:s6+s9], $0x50, $0x38;
	[tilespmem:$0x5100] =	vst v63  }
0xf: {  	_ =	swait.ge @!p0 [sflag:s11], $0x50  }
0x10: {  	s12 =	simm.s32 @!p0 $0x1;
	[sflag:s11] =	ssyncset.done @!p0 $0x0  }
0x11: {  	s13 =	simm.s32 @!p0 $0x50;
	s14 =	simm.s32 @!p0 $0x2900;
	[sflag:s11] =	ssyncadd.s32 @!p0 $0xFFFFFFB0  }
0x12: {  	[tilespmem:s14], [sflag:$0x2] =	stream.indirect.gather @!p0 [hbm4b:s5+s13], $0x80, s10, s13, $0xb8;
	[tilespmem:$0x5100] =	vst v63  }
0x13: {  	s15 =	smul.u32 $0x1400, s18;
	_ =	swait.ge @!p0 [sflag:s12], $0x2800  }
0x14: {  	[sflag:s12] =	ssyncset.done @!p0 $0x0  }
0x15: {  	s16 =	simm.s32 @!p0 $0x100;
	s15 =	sadd.s32 s23, s15;
	[sflag:s12] =	ssyncadd.s32 @!p0 $0xFFFFD800  }
0x16: {  	[hbm4b:s15+s9] =	stream.linear.scatter @!p0 [tilespmem:s16], [sflag:$0x3], $0x2800, $0x38;
	[tilespmem:$0x5100] =	vst v63  }
0x17: {  	s24 =	sadd.s32 $0xA0, s22;
	_ =	swait.ge @!p0 [sflag:s11], $0x2800  }
0x18: {  	s17 =	sshrl.u32 s24, $0x3;
	[sflag:s11] =	ssyncset.done @!p0 $0x0  }
0x19: {  	s17 =	sadd.s32 s20, s17;
	[sflag:s11] =	ssyncadd.s32 @!p0 $0xFFFFD800  }
0x1a: {  	[tilespmem:s9], [sflag:$0x3] =	stream.linear.gather @!p0 [hbm4b:s17+s9], $0x50, $0x38;
	[tilespmem:$0x5100] =	vst v63  }
0x1b: {  	_ =	swait.ge @!p0 [sflag:s11], $0x50  }
0x1c: {  	[sflag:s11] =	ssyncset.done @!p0 $0x0  }
0x1d: {  	s19 =	smul.u32 $0xA000, s18;
	s18 =	simm.s32 @!p0 $0x2;
	[sflag:s11] =	ssyncadd.s32 @!p0 $0xFFFFFFB0  }
0x1e: {  	[tilespmem:s16], [sflag:$0x1] =	stream.indirect.gather @!p0 [hbm4b:s5+s13], $0x80, s9, s13, $0xb8;
	[tilespmem:$0x5100] =	vst v63  }
0x1f: {  	s19 =	sshrl.u32 s19, $0x3;
	_ =	swait.ge @!p0 [sflag:s18], $0x2800  }
0x20: {  	s19 =	sadd.s32 s23, s19;
	[sflag:s18] =	ssyncset.done @!p0 $0x0  }
0x21: {  	s19 =	sadd.s32 $0x500, s19;
	[sflag:s18] =	ssyncadd.s32 @!p0 $0xFFFFD800  }
0x22: {  	[hbm4b:s19+s9] =	stream.linear.scatter @!p0 [tilespmem:s14], [sflag:$0x3], $0x2800, $0x38;
	[tilespmem:$0x5100] =	vst v63  }
0x23: {  	s25 =	sadd.s32 $0xF0, s22;
	_ =	swait.ge @!p0 [sflag:s11], $0x2800  }
0x24: {  	s22 =	sshrl.u32 s25, $0x3;
	[sflag:s11] =	ssyncset.done @!p0 $0x0  }
0x25: {  	s20 =	sadd.s32 s20, s22;
	[sflag:s11] =	ssyncadd.s32 @!p0 $0xFFFFD800  }
0x26: {  	[tilespmem:s10], [sflag:$0x3] =	stream.linear.gather @!p0 [hbm4b:s20+s9], $0x50, $0x38;
	[tilespmem:$0x5100] =	vst v63  }
0x27: {  	_ =	swait.ge @!p0 [sflag:s11], $0x50  }
0x28: {  	[sflag:s11] =	ssyncset.done @!p0 $0x0  }
0x29: {  	[sflag:s11] =	ssyncadd.s32 @!p0 $0xFFFFFFB0  }
0x2a: {  	[tilespmem:s14], [sflag:$0x2] =	stream.indirect.gather @!p0 [hbm4b:s5+s13], $0x80, s10, s13, $0xb8;
	[tilespmem:$0x5100] =	vst v63  }
0x2b: {  	s29 =	ssub.s32 $0x2, s21;
	_ =	swait.ge @!p0 [sflag:s12], $0x2800  }
0x2c: {  	s30 =	sshrl.u32 s29, $0x1;
	s28 =	sshll.u32 s24, $0x4;
	[sflag:s12] =	ssyncset.done @!p0 $0x0  }
0x2d: {  	s24 =	ssub.s32 s29, s30;
	s21 =	sadd.s32 s23, s28;
	[sflag:s12] =	ssyncadd.s32 @!p0 $0xFFFFD800  }
0x2e: {  	[hbm4b:s21+s9] =	stream.linear.scatter @!p0 [tilespmem:s16], [sflag:$0x3], $0x2800, $0x38;
	[tilespmem:$0x5100] =	vst v63  }
0x2f: {  	s25 =	sshll.u32 s25, $0x4;
	s22 =	simm.s32 @!p0 $0x2;
	_ =	swait.ge @!p0 [sflag:s11], $0x2800  }
0x30: {  	s23 =	sadd.s32 s23, s25;
	s31 =	smax.u32 s24, $0x1;
	[sflag:s11] =	ssyncset.done @!p0 $0x0  }
0x31: {  	s22 =	simm.s32 @p0 $0x1;
	s25 =	sadd.s32 $0xFFFFFFFF, s31;
	[sflag:s11] =	ssyncadd.s32 @!p0 $0xFFFFD800  }
0x32: {  	p1 =	sne.s32 s25, $0x0;
	_ =	swait.ge [sflag:s22], $0x2800  }
.Ltmp0:
0x33: {  	s24 =	simm.s32 @!p0 $0x2900;
	[sflag:s22] =	ssyncset.done $0x0;
	(pc) =	sbr.rel @!p1 .LBB2_2-.Ltmp0, $4  }
0x34: {  	s23 =	smov.u32 @p0 s15;
	s24 =	simm.s32 @p0 $0x100;
	[sflag:s22] =	ssyncadd.s32 $0xFFFFD800  }
0x35: {  	[hbm4b:s23+s2] =	stream.linear.scatter [tilespmem:s24], [sflag:$0x3], $0x2800, $0x38;
	[tilespmem:$0x5100] =	vst v63  }
0x36: {  	_ =	swait.ge [sflag:s3], $0x2800  }
0x37: {  	[sflag:s3] =	ssyncset.done $0x0  }
.LBB2_1:
0x38: {  	s25 =	sadd.s32 $0xFFFFFFFF, s25;
	[sflag:s3] =	ssyncadd.s32 $0xFFFFD800  }
0x39: {  	[tilespmem:s2], [sflag:$0x3] =	stream.linear.gather [hbm4b:s4+s2], $0x50, $0x38;
	[tilespmem:$0x5100] =	vst v63  }
0x3a: {  	p1 =	sne.s32 s25, $0x0;
	_ =	swait.ge [sflag:s3], $0x50  }
0x3b: {  	[sflag:s3] =	ssyncset.done $0x0  }
0x3c: {  	[sflag:s3] =	ssyncadd.s32 $0xFFFFFFB0  }
0x3d: {  	[tilespmem:s8], [sflag:$0x1] =	stream.indirect.gather [hbm4b:s5+s7], $0x80, s2, s7, $0xb8;
	[tilespmem:$0x5100] =	vst v63  }
0x3e: {  	_ = 	snop  }
0x3f: {  	[tilespmem:s10], [sflag:$0x3] =	stream.linear.gather @!p0 [hbm4b:s6+s9], $0x50, $0x38;
	[tilespmem:$0x5100] =	vst v63  }
0x40: {  	_ =	swait.ge @!p0 [sflag:s11], $0x50  }
0x41: {  	[sflag:s11] =	ssyncset.done @!p0 $0x0  }
0x42: {  	[sflag:s11] =	ssyncadd.s32 @!p0 $0xFFFFFFB0  }
0x43: {  	[tilespmem:s14], [sflag:$0x2] =	stream.indirect.gather @!p0 [hbm4b:s5+s13], $0x80, s10, s13, $0xb8;
	[tilespmem:$0x5100] =	vst v63  }
0x44: {  	_ =	swait.ge @!p0 [sflag:s12], $0x2800  }
0x45: {  	[sflag:s12] =	ssyncset.done @!p0 $0x0  }
0x46: {  	[sflag:s12] =	ssyncadd.s32 @!p0 $0xFFFFD800  }
0x47: {  	[hbm4b:s15+s9] =	stream.linear.scatter @!p0 [tilespmem:s16], [sflag:$0x3], $0x2800, $0x38;
	[tilespmem:$0x5100] =	vst v63  }
0x48: {  	_ =	swait.ge @!p0 [sflag:s11], $0x2800  }
0x49: {  	[sflag:s11] =	ssyncset.done @!p0 $0x0  }
0x4a: {  	[sflag:s11] =	ssyncadd.s32 @!p0 $0xFFFFD800  }
0x4b: {  	[tilespmem:s9], [sflag:$0x3] =	stream.linear.gather @!p0 [hbm4b:s17+s9], $0x50, $0x38;
	[tilespmem:$0x5100] =	vst v63  }
0x4c: {  	_ =	swait.ge @!p0 [sflag:s11], $0x50  }
0x4d: {  	[sflag:s11] =	ssyncset.done @!p0 $0x0  }
0x4e: {  	[sflag:s11] =	ssyncadd.s32 @!p0 $0xFFFFFFB0  }
0x4f: {  	[tilespmem:s16], [sflag:$0x1] =	stream.indirect.gather @!p0 [hbm4b:s5+s13], $0x80, s9, s13, $0xb8;
	[tilespmem:$0x5100] =	vst v63  }
0x50: {  	_ =	swait.ge @!p0 [sflag:s18], $0x2800  }
0x51: {  	[sflag:s18] =	ssyncset.done @!p0 $0x0  }
0x52: {  	[sflag:s18] =	ssyncadd.s32 @!p0 $0xFFFFD800  }
0x53: {  	[hbm4b:s19+s9] =	stream.linear.scatter @!p0 [tilespmem:s14], [sflag:$0x3], $0x2800, $0x38;
	[tilespmem:$0x5100] =	vst v63  }
0x54: {  	_ =	swait.ge @!p0 [sflag:s11], $0x2800  }
0x55: {  	[sflag:s11] =	ssyncset.done @!p0 $0x0  }
0x56: {  	[sflag:s11] =	ssyncadd.s32 @!p0 $0xFFFFD800  }
0x57: {  	[tilespmem:s10], [sflag:$0x3] =	stream.linear.gather @!p0 [hbm4b:s20+s9], $0x50, $0x38;
	[tilespmem:$0x5100] =	vst v63  }
0x58: {  	_ =	swait.ge @!p0 [sflag:s11], $0x50  }
0x59: {  	[sflag:s11] =	ssyncset.done @!p0 $0x0  }
0x5a: {  	[sflag:s11] =	ssyncadd.s32 @!p0 $0xFFFFFFB0  }
0x5b: {  	[tilespmem:s14], [sflag:$0x2] =	stream.indirect.gather @!p0 [hbm4b:s5+s13], $0x80, s10, s13, $0xb8;
	[tilespmem:$0x5100] =	vst v63  }
0x5c: {  	_ =	swait.ge @!p0 [sflag:s12], $0x2800  }
0x5d: {  	[sflag:s12] =	ssyncset.done @!p0 $0x0  }
0x5e: {  	[sflag:s12] =	ssyncadd.s32 @!p0 $0xFFFFD800  }
0x5f: {  	[hbm4b:s21+s9] =	stream.linear.scatter @!p0 [tilespmem:s16], [sflag:$0x3], $0x2800, $0x38;
	[tilespmem:$0x5100] =	vst v63  }
0x60: {  	_ =	swait.ge @!p0 [sflag:s11], $0x2800  }
0x61: {  	[sflag:s11] =	ssyncset.done @!p0 $0x0  }
0x62: {  	[sflag:s11] =	ssyncadd.s32 @!p0 $0xFFFFD800  }
0x63: {  	_ =	swait.ge [sflag:s22], $0x2800  }
.Ltmp1:
0x64: {  	[sflag:s22] =	ssyncset.done $0x0;
	(pc) =	sbr.rel @p1 .LBB2_1-.Ltmp1, $4  }
0x65: {  	[sflag:s22] =	ssyncadd.s32 $0xFFFFD800  }
0x66: {  	[hbm4b:s23+s2] =	stream.linear.scatter [tilespmem:s24], [sflag:$0x3], $0x2800, $0x38;
	[tilespmem:$0x5100] =	vst v63  }
0x67: {  	_ =	swait.ge [sflag:s3], $0x2800  }
0x68: {  	[sflag:s3] =	ssyncset.done $0x0  }
.LBB2_2:
0x69: {  	[sflag:s3] =	ssyncadd.s32 $0xFFFFD800  }
0x6a: {  	_ =	sfence.sel $0x180000  }
0x6b: {  	[bflag:$0x0] =	sbarrier.arrive $0xFFFF  }
0x6c: {  	p0 =	sne.s32 s0, $0x0;
	_ =	strace $0x9000004A  }
0x6d: {  	s0 =	sadd.s32 @!p0 $0x100000, s1;
	[bflag:$0x2] =	sbarrier.arrive $0xFFFF  }
0x6e: {  	[sflag:s0] =	ssyncadd.tile.s32 @!p0 $0x1;
	_ =	shalt  }
.Lfunc_end2:
_tile_overlayer_lowered:
.L_overlay_start_2:
0x6f: {  	(tag) =	ssettag $0x2  }
0x70: {  	s0 =	rddreg [dreg:$0x0];
	s2 =	stileid.u32  }
0x71: {  	s1 =	rddreg [dreg:$0x1];
	p0 =	sne.s32 s2, $0x0  }
0x72: {  	s3 =	rddreg [dreg:$0x2];
	[bflag:$0x3] =	sbarrier.arrive $0xFFFF;
	s2 =	simm.s32 @!p0 $0x1C03  }
0x73: {  	[timem:s3], [sflag:s2] =	dma.local @!p0 [hbm:s0], s1  }
0x74: {  	s0 =	simm.s32 @!p0 $0x3  }
0x75: {  	_ =	swait.ge @!p0 [sflag:s0], s1  }
0x76: {  	s1 =	ssub.s32 @!p0 $0x0, s1;
	[sflag:s0] =	ssyncset.done @!p0 $0x0  }
0x77: {  	[sflag:s0] =	ssyncadd.s32 @!p0 s1  }
0x78: {  	[bflag:$0x3] =	sbarrier.arrive $0xFFFF  }
0x79: {  	_ =	shalt  }

</sc_bundles>
